<compile_context>
chip_gen: v7x
topology: tpu7x:2x2x1
jax: 0.10.2.dev20260603
libtpu: 0.0.44.dev20260713+nightly
codegen_flags: <defaults>
</compile_context>

<pallas_src>
import numpy as np
import jax
import jax.numpy as jnp
from jax import lax
from jax.experimental import pallas as pl
from jax.experimental.pallas import tpu as pltpu
from jax.experimental.pallas import tpu_sc as plsc

_B = 8
_T = 2048
_S = 256
_DV = 512
_DA = 128
_L = 16
_WV = _DV // 4
_WA = _DA // 4
_CV = _WV // _L
_CA = _WA // _L
_PHASE = 128
_NPH = _T // _PHASE
_RT = _PHASE // 8


def _segment_tables():
    output_length = min(256, _T) - 1
    rng = np.random.default_rng(0)
    indices = np.arange(0, _T - 1)
    border_indices = rng.choice(indices, output_length, replace=False)
    border_indices = sorted(border_indices + 1)
    border_indices.append(_T)
    borders = np.concatenate([[0], np.asarray(border_indices, dtype=np.int64)])
    lengths = np.diff(borders)
    seg_ids = np.repeat(np.arange(len(lengths)), lengths)
    inv_row = (1.0 / lengths.astype(np.float32))[seg_ids]
    return seg_ids.astype(np.int32), inv_row.astype(np.float32)


_SEG_IDS, _INV_ROW = _segment_tables()


def _lane_splat(vec, r):
    idx = jnp.full((_L, 1), r, dtype=jnp.int32)
    dnums = lax.GatherDimensionNumbers(
        offset_dims=(), collapsed_slice_dims=(0,), start_index_map=(0,))
    return lax.gather(vec, idx, dnums, (1,),
                      mode=lax.GatherScatterMode.PROMISE_IN_BOUNDS)


def _sc_body(vid_ref, aud_ref, seg_ref, inv_ref, outv_ref, outa_ref,
             segv, invv, bufv, bufa, accv, acca, semv, sema):
    cid = lax.axis_index("c")
    sid = lax.axis_index("s")
    wid = sid * 2 + cid
    b = wid // 4
    j = wid % 4

    pltpu.sync_copy(seg_ref, segv)
    pltpu.sync_copy(inv_ref, invv)

    iota = lax.iota(jnp.int32, _L)
    zeros = jnp.zeros((_L,), jnp.float32)
    cvec = [iota + c * _L for c in range(_CV)]

    def zero_body(s):
        st = s >> 3
        si = s & 7
        for c in range(_CV):
            accv[st, si, pl.ds(c * _L, _L)] = zeros
        for c in range(_CA):
            acca[s, pl.ds(c * _L, _L)] = zeros

    plsc.parallel_loop(0, _S, 1, unroll=4, carry=None)(zero_body)

    def vslice(p):
        return vid_ref.at[b, pl.ds(p * _RT, _RT), j]

    def aslice(p):
        return aud_ref.at[b, pl.ds(p * _PHASE, _PHASE), pl.ds(j * _WA, _WA)]

    pltpu.make_async_copy(vslice(0), bufv.at[0], semv.at[0]).start()
    pltpu.make_async_copy(aslice(0), bufa.at[0], sema.at[0]).start()

    def phase_body(p, carry):
        par = lax.rem(p, 2)
        nxt = lax.rem(p + 1, 2)

        @pl.when(p < _NPH - 1)
        def _():
            pltpu.make_async_copy(vslice(p + 1), bufv.at[nxt], semv.at[nxt]).start()
            pltpu.make_async_copy(aslice(p + 1), bufa.at[nxt], sema.at[nxt]).start()

        pltpu.make_async_copy(vslice(p), bufv.at[par], semv.at[par]).wait()
        pltpu.make_async_copy(aslice(p), bufa.at[par], sema.at[par]).wait()

        base = p * _PHASE

        def row_body(lr):
            t = base + lr
            tsplat = jnp.full((_L,), t, dtype=jnp.int32)
            rowspl = plsc.load_gather(segv, [tsplat])
            invspl = plsc.load_gather(invv, [tsplat])
            rowtile = rowspl >> 3
            rowin = rowspl & 7
            rtl = lr >> 3
            rb = (lr & 7) * _WV
            for c in range(_CV):
                x = bufv[par, rtl, pl.ds(rb + c * _L, _L)]
                plsc.addupdate_scatter(accv, [rowtile, rowin, cvec[c]],
                                       x * invspl)
            for c in range(_CA):
                x = bufa[par, lr, pl.ds(c * _L, _L)]
                plsc.addupdate_scatter(acca, [rowspl, cvec[c]],
                                       x * invspl)

        plsc.parallel_loop(0, _PHASE, 1, unroll=4, carry=None)(row_body)
        return carry
    lax.fori_loop(0, _NPH, phase_body, 0)

    pltpu.sync_copy(accv, outv_ref.at[b, :, j])
    pltpu.sync_copy(acca, outa_ref.at[b, :, pl.ds(j * _WA, _WA)])


@jax.jit
def kernel(video, audio):
    seg = jnp.asarray(_SEG_IDS)
    invr = jnp.asarray(_INV_ROW)

    v5 = video.reshape(_B, _T // 8, 8, 4, _WV).transpose(0, 1, 3, 2, 4)
    v5 = v5.reshape(_B, _T // 8, 4, 8 * _WV)

    mesh = plsc.VectorSubcoreMesh(core_axis_name="c", subcore_axis_name="s",
                                  num_cores=2, num_subcores=16)
    f = pl.kernel(
        _sc_body,
        out_type=(
            jax.ShapeDtypeStruct((_B, _S // 8, 4, 8, _WV), jnp.float32),
            jax.ShapeDtypeStruct((_B, _S, _DA), jnp.float32),
        ),
        mesh=mesh,
        compiler_params=pltpu.CompilerParams(needs_layout_passes=False,
                                             use_tc_tiling_on_sc=False),
        scratch_types=[
            pltpu.VMEM((_T,), jnp.int32),
            pltpu.VMEM((_T,), jnp.float32),
            pltpu.VMEM((2, _RT, 8 * _WV), jnp.float32),
            pltpu.VMEM((2, _PHASE, _WA), jnp.float32),
            pltpu.VMEM((_S // 8, 8, _WV), jnp.float32),
            pltpu.VMEM((_S, _WA), jnp.float32),
            pltpu.SemaphoreType.DMA((2,)),
            pltpu.SemaphoreType.DMA((2,)),
        ],
    )
    out_v5, out_a = f(v5, audio, seg, invr)
    out_v = out_v5.transpose(0, 1, 3, 2, 4).reshape(_B, _S, _DV)
    return out_v, out_a

# --- scband reference (transcript-rebuilt; emitter-appended) ---
"""Pipeline reference for scband-random-frames-mean-combiner-395136991784 (READ-ONLY COPY).

The authoritative reference and input builder live on the scoring server;
editing this copy changes nothing except your own understanding.
"""

import jax, jax.numpy as jnp
import numpy as np

MAX_OUTPUT_LENGTH = 256


def _make_segments(T, max_output_length):
    # Faithful to the torch module: random (deterministic seed) border choice,
    # sorted, shifted by +1, with T appended as the final border.
    output_length = min(max_output_length, T) - 1
    rng = np.random.default_rng(0)
    indices = np.arange(0, T - 1)
    border_indices = rng.choice(indices, output_length, replace=False)
    border_indices = sorted(border_indices + 1)
    border_indices.append(T)
    borders = np.concatenate([[0], np.asarray(border_indices, dtype=np.int64)])
    lengths = np.diff(borders)
    num_segments = len(lengths)
    segment_ids = np.repeat(np.arange(num_segments), lengths)
    return (jnp.asarray(segment_ids, dtype=jnp.int32), num_segments,
            jnp.asarray(lengths, dtype=jnp.float32))


def _segment_mean(x, segment_ids, num_segments, lengths):
    # x: [B, T, d] -> mean over variable-length time segments -> [B, S, d]
    xt = jnp.swapaxes(x, 0, 1)  # [T, B, d]
    sums = jax.ops.segment_sum(xt, segment_ids, num_segments=num_segments)  # [S, B, d]
    means = sums / lengths[:, None, None]
    return jnp.swapaxes(means, 0, 1)  # [B, S, d]


def setup_inputs(seed: int = 0) -> dict:
    key = jax.random.key(seed)
    k1, k2 = jax.random.split(key)
    video = jax.random.normal(k1, (8, 2048, 512), dtype=jnp.float32)
    audio = jax.random.normal(k2, (8, 2048, 128), dtype=jnp.float32)
    return {"video": video, "audio": audio}


def reference(video, audio):
    T = video.shape[1]
    segment_ids, num_segments, lengths = _make_segments(T, MAX_OUTPUT_LENGTH)
    out_video = _segment_mean(video, segment_ids, num_segments, lengths)
    out_audio = _segment_mean(audio, segment_ids, num_segments, lengths)
    return (out_video, out_audio)

if __name__ == "__main__":
    import jax
    _d = setup_inputs()
    print(jax.jit(kernel)(*tuple(_d.values())))

</pallas_src>

<mosaic_0001>
#map = affine_map<(d0, d1) -> (0, 0, 0, 0)>
#map1 = affine_map<(d0, d1) -> (0, 0, 0)>
#map2 = affine_map<(d0, d1) -> (0)>
#map3 = affine_map<(d0, d1) -> (0, 0, 0, 0, 0)>
module attributes {stable_mosaic.version = 14 : i64} {
  func.func @_sc_body(%arg0: i32, %arg1: i32, %arg2: memref<8x256x4x1024xf32, #tpu.memory_space<hbm>>, %arg3: memref<8x2048x128xf32, #tpu.memory_space<hbm>>, %arg4: memref<2048xi32, #tpu.memory_space<hbm>>, %arg5: memref<2048xf32, #tpu.memory_space<hbm>>, %arg6: memref<8x32x4x8x128xf32, #tpu.memory_space<hbm>>, %arg7: memref<8x256x128xf32, #tpu.memory_space<hbm>>, %arg8: memref<2048xi32, #tpu.memory_space<vmem>>, %arg9: memref<2048xf32, #tpu.memory_space<vmem>>, %arg10: memref<2x16x1024xf32, #tpu.memory_space<vmem>>, %arg11: memref<2x128x32xf32, #tpu.memory_space<vmem>>, %arg12: memref<32x8x128xf32, #tpu.memory_space<vmem>>, %arg13: memref<256x32xf32, #tpu.memory_space<vmem>>, %arg14: memref<2x!tpu.dma_semaphore, #tpu.memory_space<semaphore_mem>>, %arg15: memref<2x!tpu.dma_semaphore, #tpu.memory_space<semaphore_mem>>) attributes {dimension_semantics = [#tpu.dimension_semantics<core_parallel>, #tpu.dimension_semantics<subcore_parallel>], iteration_bounds = array<i64: 2, 16>, scalar_prefetch = 0 : i64, scratch_operands = 8 : i64, tpu.core_type = #tpu.core_type<sc_vector_subcore>, window_params = [{transform_indices = #map}, {transform_indices = #map1}, {transform_indices = #map2}, {transform_indices = #map2}, {transform_indices = #map3}, {transform_indices = #map1}]} {
    %mul3A = arith.constant 2 : i32
    %mul3A_0 = arith.muli %arg1, %mul3A : i32
    %add3A = arith.addi %mul3A_0, %arg0 : i32
    %jit3A = arith.constant 4 : i32
    %div3A = arith.divsi %add3A, %jit3A : i32
    %sign3A = arith.constant 0 : i32
    %sign3A_1 = arith.cmpi sgt, %add3A, %sign3A : i32
    %sign3A_2 = arith.extui %sign3A_1 : i1 to i32
    %sign3A_3 = arith.constant 0 : i32
    %sign3A_4 = arith.cmpi slt, %add3A, %sign3A_3 : i32
    %sign3A_5 = arith.extui %sign3A_4 : i1 to i32
    %sign3A_6 = arith.subi %sign3A_2, %sign3A_5 : i32
    %sign3A_7 = arith.constant 0 : i32
    %sign3A_8 = arith.cmpi sgt, %jit3A, %sign3A_7 : i32
    %sign3A_9 = arith.extui %sign3A_8 : i1 to i32
    %sign3A_10 = arith.constant 0 : i32
    %sign3A_11 = arith.cmpi slt, %jit3A, %sign3A_10 : i32
    %sign3A_12 = arith.extui %sign3A_11 : i1 to i32
    %sign3A_13 = arith.subi %sign3A_9, %sign3A_12 : i32
    %ne3A = arith.cmpi ne, %sign3A_6, %sign3A_13 : i32
    %rem3A = arith.remsi %add3A, %jit3A : i32
    %ne3A_14 = arith.constant 0 : i32
    %ne3A_15 = arith.cmpi ne, %rem3A, %ne3A_14 : i32
    %and3A = arith.andi %ne3A, %ne3A_15 : i1
    %sub3A = arith.constant 1 : i32
    %sub3A_16 = arith.subi %div3A, %sub3A : i32
    %select_n3A = arith.select %and3A, %sub3A_16, %div3A : i32
    %jit3A_17 = arith.constant 4 : i32
    %eq3A = arith.constant 0 : i32
    %eq3A_18 = arith.cmpi eq, %jit3A_17, %eq3A : i32
    %jit3A_19 = arith.constant 1 : i32
    %select_n3A_20 = arith.select %eq3A_18, %jit3A_19, %jit3A_17 : i32
    %rem3A_21 = arith.remsi %add3A, %select_n3A_20 : i32
    %ne3A_22 = arith.constant 0 : i32
    %ne3A_23 = arith.cmpi ne, %rem3A_21, %ne3A_22 : i32
    %lt3A = arith.constant 0 : i32
    %lt3A_24 = arith.cmpi slt, %rem3A_21, %lt3A : i32
    %lt3A_25 = arith.constant 0 : i32
    %lt3A_26 = arith.cmpi slt, %select_n3A_20, %lt3A_25 : i32
    %ne3A_27 = arith.xori %lt3A_24, %lt3A_26 : i1
    %and3A_28 = arith.andi %ne3A_27, %ne3A_23 : i1
    %add3A_29 = arith.addi %rem3A_21, %select_n3A_20 : i32
    %select_n3A_30 = arith.select %and3A_28, %add3A_29, %rem3A_21 : i32
    "tpu.region"() ({
      %run_scoped3A = tpu.sem_alloc : memref<!tpu.dma_semaphore, #tpu.memory_space<semaphore_mem>>
      tpu.enqueue_dma source(%arg4 : memref<2048xi32, #tpu.memory_space<hbm>>) target(%arg8 : memref<2048xi32, #tpu.memory_space<vmem>>) target_semaphore(%run_scoped3A : memref<!tpu.dma_semaphore, #tpu.memory_space<semaphore_mem>>)
      tpu.wait_dma2 semaphore(%run_scoped3A : memref<!tpu.dma_semaphore, #tpu.memory_space<semaphore_mem>>) src(%arg4 : memref<2048xi32, #tpu.memory_space<hbm>>) dst(%arg8 : memref<2048xi32, #tpu.memory_space<vmem>>)
      tpu.yield
    }) : () -> ()
    "tpu.region"() ({
      %run_scoped3A = tpu.sem_alloc : memref<!tpu.dma_semaphore, #tpu.memory_space<semaphore_mem>>
      tpu.enqueue_dma source(%arg5 : memref<2048xf32, #tpu.memory_space<hbm>>) target(%arg9 : memref<2048xf32, #tpu.memory_space<vmem>>) target_semaphore(%run_scoped3A : memref<!tpu.dma_semaphore, #tpu.memory_space<semaphore_mem>>)
      tpu.wait_dma2 semaphore(%run_scoped3A : memref<!tpu.dma_semaphore, #tpu.memory_space<semaphore_mem>>) src(%arg5 : memref<2048xf32, #tpu.memory_space<hbm>>) dst(%arg9 : memref<2048xf32, #tpu.memory_space<vmem>>)
      tpu.yield
    }) : () -> ()
    %iota3A = tpu.iota {dimensions = array<i32: 0>} : vector<16xi32>
    %broadcast_in_dim3A = arith.constant 0.000000e+00 : f32
    %broadcast_in_dim3A_31 = vector.broadcast %broadcast_in_dim3A : f32 to vector<16xf32>
    %add3A_32 = arith.constant 0 : i32
    %add3A_33 = vector.broadcast %add3A_32 : i32 to vector<16xi32>
    %add3A_34 = arith.addi %iota3A, %add3A_33 : vector<16xi32>
    %add3A_35 = arith.constant 16 : i32
    %add3A_36 = vector.broadcast %add3A_35 : i32 to vector<16xi32>
    %add3A_37 = arith.addi %iota3A, %add3A_36 : vector<16xi32>
    %add3A_38 = arith.constant 32 : i32
    %add3A_39 = vector.broadcast %add3A_38 : i32 to vector<16xi32>
    %add3A_40 = arith.addi %iota3A, %add3A_39 : vector<16xi32>
    %add3A_41 = arith.constant 48 : i32
    %add3A_42 = vector.broadcast %add3A_41 : i32 to vector<16xi32>
    %add3A_43 = arith.addi %iota3A, %add3A_42 : vector<16xi32>
    %add3A_44 = arith.constant 64 : i32
    %add3A_45 = vector.broadcast %add3A_44 : i32 to vector<16xi32>
    %add3A_46 = arith.addi %iota3A, %add3A_45 : vector<16xi32>
    %add3A_47 = arith.constant 80 : i32
    %add3A_48 = vector.broadcast %add3A_47 : i32 to vector<16xi32>
    %add3A_49 = arith.addi %iota3A, %add3A_48 : vector<16xi32>
    %add3A_50 = arith.constant 96 : i32
    %add3A_51 = vector.broadcast %add3A_50 : i32 to vector<16xi32>
    %add3A_52 = arith.addi %iota3A, %add3A_51 : vector<16xi32>
    %add3A_53 = arith.constant 112 : i32
    %add3A_54 = vector.broadcast %add3A_53 : i32 to vector<16xi32>
    %add3A_55 = arith.addi %iota3A, %add3A_54 : vector<16xi32>
    %parallel_loop3A = arith.constant 0 : i32
    %parallel_loop3A_56 = arith.constant 256 : i32
    %parallel_loop3A_57 = arith.constant 1 : i32
    scf.for %parallel_loop3A_104 = %parallel_loop3A to %parallel_loop3A_56 step %parallel_loop3A_57  : i32 {
      %parallel_loop3A_105 = arith.constant 3 : i32
      %parallel_loop3A_106 = arith.shrsi %parallel_loop3A_104, %parallel_loop3A_105 : i32
      %parallel_loop3A_107 = arith.constant 7 : i32
      %parallel_loop3A_108 = arith.andi %parallel_loop3A_104, %parallel_loop3A_107 : i32
      %parallel_loop3A_109 = arith.index_cast %parallel_loop3A_106 : i32 to index
      %parallel_loop3A_110 = arith.index_cast %parallel_loop3A_108 : i32 to index
      %parallel_loop3A_111 = arith.constant 0 : index
      %parallel_loop3A_112 = tpu.vector_load %arg12[%parallel_loop3A_109, %parallel_loop3A_110, %parallel_loop3A_111] {strides = array<i32>} : memref<32x8x128xf32, #tpu.memory_space<vmem>>, vector<16xf32>,
      tpu.vector_store %arg12[%parallel_loop3A_109, %parallel_loop3A_110, %parallel_loop3A_111], %broadcast_in_dim3A_31 {strides = array<i32>} : memref<32x8x128xf32, #tpu.memory_space<vmem>>, vector<16xf32>,
      %parallel_loop3A_113 = arith.index_cast %parallel_loop3A_106 : i32 to index
      %parallel_loop3A_114 = arith.index_cast %parallel_loop3A_108 : i32 to index
      %parallel_loop3A_115 = arith.constant 16 : index
      %parallel_loop3A_116 = tpu.vector_load %arg12[%parallel_loop3A_113, %parallel_loop3A_114, %parallel_loop3A_115] {strides = array<i32>} : memref<32x8x128xf32, #tpu.memory_space<vmem>>, vector<16xf32>,
      tpu.vector_store %arg12[%parallel_loop3A_113, %parallel_loop3A_114, %parallel_loop3A_115], %broadcast_in_dim3A_31 {strides = array<i32>} : memref<32x8x128xf32, #tpu.memory_space<vmem>>, vector<16xf32>,
      %parallel_loop3A_117 = arith.index_cast %parallel_loop3A_106 : i32 to index
      %parallel_loop3A_118 = arith.index_cast %parallel_loop3A_108 : i32 to index
      %parallel_loop3A_119 = arith.constant 32 : index
      %parallel_loop3A_120 = tpu.vector_load %arg12[%parallel_loop3A_117, %parallel_loop3A_118, %parallel_loop3A_119] {strides = array<i32>} : memref<32x8x128xf32, #tpu.memory_space<vmem>>, vector<16xf32>,
      tpu.vector_store %arg12[%parallel_loop3A_117, %parallel_loop3A_118, %parallel_loop3A_119], %broadcast_in_dim3A_31 {strides = array<i32>} : memref<32x8x128xf32, #tpu.memory_space<vmem>>, vector<16xf32>,
      %parallel_loop3A_121 = arith.index_cast %parallel_loop3A_106 : i32 to index
      %parallel_loop3A_122 = arith.index_cast %parallel_loop3A_108 : i32 to index
      %parallel_loop3A_123 = arith.constant 48 : index
      %parallel_loop3A_124 = tpu.vector_load %arg12[%parallel_loop3A_121, %parallel_loop3A_122, %parallel_loop3A_123] {strides = array<i32>} : memref<32x8x128xf32, #tpu.memory_space<vmem>>, vector<16xf32>,
      tpu.vector_store %arg12[%parallel_loop3A_121, %parallel_loop3A_122, %parallel_loop3A_123], %broadcast_in_dim3A_31 {strides = array<i32>} : memref<32x8x128xf32, #tpu.memory_space<vmem>>, vector<16xf32>,
      %parallel_loop3A_125 = arith.index_cast %parallel_loop3A_106 : i32 to index
      %parallel_loop3A_126 = arith.index_cast %parallel_loop3A_108 : i32 to index
      %parallel_loop3A_127 = arith.constant 64 : index
      %parallel_loop3A_128 = tpu.vector_load %arg12[%parallel_loop3A_125, %parallel_loop3A_126, %parallel_loop3A_127] {strides = array<i32>} : memref<32x8x128xf32, #tpu.memory_space<vmem>>, vector<16xf32>,
      tpu.vector_store %arg12[%parallel_loop3A_125, %parallel_loop3A_126, %parallel_loop3A_127], %broadcast_in_dim3A_31 {strides = array<i32>} : memref<32x8x128xf32, #tpu.memory_space<vmem>>, vector<16xf32>,
      %parallel_loop3A_129 = arith.index_cast %parallel_loop3A_106 : i32 to index
      %parallel_loop3A_130 = arith.index_cast %parallel_loop3A_108 : i32 to index
      %parallel_loop3A_131 = arith.constant 80 : index
      %parallel_loop3A_132 = tpu.vector_load %arg12[%parallel_loop3A_129, %parallel_loop3A_130, %parallel_loop3A_131] {strides = array<i32>} : memref<32x8x128xf32, #tpu.memory_space<vmem>>, vector<16xf32>,
      tpu.vector_store %arg12[%parallel_loop3A_129, %parallel_loop3A_130, %parallel_loop3A_131], %broadcast_in_dim3A_31 {strides = array<i32>} : memref<32x8x128xf32, #tpu.memory_space<vmem>>, vector<16xf32>,
      %parallel_loop3A_133 = arith.index_cast %parallel_loop3A_106 : i32 to index
      %parallel_loop3A_134 = arith.index_cast %parallel_loop3A_108 : i32 to index
      %parallel_loop3A_135 = arith.constant 96 : index
      %parallel_loop3A_136 = tpu.vector_load %arg12[%parallel_loop3A_133, %parallel_loop3A_134, %parallel_loop3A_135] {strides = array<i32>} : memref<32x8x128xf32, #tpu.memory_space<vmem>>, vector<16xf32>,
      tpu.vector_store %arg12[%parallel_loop3A_133, %parallel_loop3A_134, %parallel_loop3A_135], %broadcast_in_dim3A_31 {strides = array<i32>} : memref<32x8x128xf32, #tpu.memory_space<vmem>>, vector<16xf32>,
      %parallel_loop3A_137 = arith.index_cast %parallel_loop3A_106 : i32 to index
      %parallel_loop3A_138 = arith.index_cast %parallel_loop3A_108 : i32 to index
      %parallel_loop3A_139 = arith.constant 112 : index
      %parallel_loop3A_140 = tpu.vector_load %arg12[%parallel_loop3A_137, %parallel_loop3A_138, %parallel_loop3A_139] {strides = array<i32>} : memref<32x8x128xf32, #tpu.memory_space<vmem>>, vector<16xf32>,
      tpu.vector_store %arg12[%parallel_loop3A_137, %parallel_loop3A_138, %parallel_loop3A_139], %broadcast_in_dim3A_31 {strides = array<i32>} : memref<32x8x128xf32, #tpu.memory_space<vmem>>, vector<16xf32>,
      %parallel_loop3A_141 = arith.index_cast %parallel_loop3A_104 : i32 to index
      %parallel_loop3A_142 = arith.constant 0 : index
      %parallel_loop3A_143 = tpu.vector_load %arg13[%parallel_loop3A_141, %parallel_loop3A_142] {strides = array<i32>} : memref<256x32xf32, #tpu.memory_space<vmem>>, vector<16xf32>,
      tpu.vector_store %arg13[%parallel_loop3A_141, %parallel_loop3A_142], %broadcast_in_dim3A_31 {strides = array<i32>} : memref<256x32xf32, #tpu.memory_space<vmem>>, vector<16xf32>,
      %parallel_loop3A_144 = arith.index_cast %parallel_loop3A_104 : i32 to index
      %parallel_loop3A_145 = arith.constant 16 : index
      %parallel_loop3A_146 = tpu.vector_load %arg13[%parallel_loop3A_144, %parallel_loop3A_145] {strides = array<i32>} : memref<256x32xf32, #tpu.memory_space<vmem>>, vector<16xf32>,
      tpu.vector_store %arg13[%parallel_loop3A_144, %parallel_loop3A_145], %broadcast_in_dim3A_31 {strides = array<i32>} : memref<256x32xf32, #tpu.memory_space<vmem>>, vector<16xf32>,
    } {sc.loop_unroll_factor = 4 : i64, sc.parallel_access}
    %dma_start3A = arith.constant 0 : i32
    %dma_start3A_58 = arith.constant 0 : i32
    %dma_start3A_59 = arith.constant 0 : i32
    %dma_start3A_60 = arith.constant 0 : i32
    %dma_start3A_61 = tpu.memref_slice %arg10[%dma_start3A, %dma_start3A_59, %dma_start3A_60] : memref<2x16x1024xf32, #tpu.memory_space<vmem>> -> memref<1x16x1024xf32, #tpu.memory_space<vmem>>
    %dma_start3A_62 = tpu.memref_squeeze %dma_start3A_61 : memref<1x16x1024xf32, #tpu.memory_space<vmem>> -> memref<16x1024xf32, #tpu.memory_space<vmem>>
    %dma_start3A_63 = arith.constant 0 : i32
    %dma_start3A_64 = arith.constant 0 : i32
    %dma_start3A_65 = tpu.memref_slice %arg2[%select_n3A, %dma_start3A_63, %select_n3A_30, %dma_start3A_64] : memref<8x256x4x1024xf32, #tpu.memory_space<hbm>> -> memref<1x16x1x1024xf32, #tpu.memory_space<hbm>>
    %dma_start3A_66 = tpu.memref_squeeze %dma_start3A_65 : memref<1x16x1x1024xf32, #tpu.memory_space<hbm>> -> memref<16x1024xf32, #tpu.memory_space<hbm>>
    %dma_start3A_67 = tpu.memref_slice %arg14[%dma_start3A_58] : memref<2x!tpu.dma_semaphore, #tpu.memory_space<semaphore_mem>> -> memref<1x!tpu.dma_semaphore, #tpu.memory_space<semaphore_mem>>
    %dma_start3A_68 = tpu.memref_squeeze %dma_start3A_67 : memref<1x!tpu.dma_semaphore, #tpu.memory_space<semaphore_mem>> -> memref<!tpu.dma_semaphore, #tpu.memory_space<semaphore_mem>>
    %dma_start3A_69 = arith.constant 0 : i32
    %dma_start3A_70 = arith.constant 0 : i32
    %dma_start3A_71 = tpu.memref_slice %arg10[%dma_start3A, %dma_start3A_69, %dma_start3A_70] : memref<2x16x1024xf32, #tpu.memory_space<vmem>> -> memref<1x16x1024xf32, #tpu.memory_space<vmem>>
    %dma_start3A_72 = tpu.memref_squeeze %dma_start3A_71 : memref<1x16x1024xf32, #tpu.memory_space<vmem>> -> memref<16x1024xf32, #tpu.memory_space<vmem>>
    %dma_start3A_73 = arith.constant 0 : i32
    %dma_start3A_74 = arith.constant 0 : i32
    %dma_start3A_75 = tpu.memref_slice %arg2[%select_n3A, %dma_start3A_73, %select_n3A_30, %dma_start3A_74] : memref<8x256x4x1024xf32, #tpu.memory_space<hbm>> -> memref<1x16x1x1024xf32, #tpu.memory_space<hbm>>
    %dma_start3A_76 = tpu.memref_squeeze %dma_start3A_75 : memref<1x16x1x1024xf32, #tpu.memory_space<hbm>> -> memref<16x1024xf32, #tpu.memory_space<hbm>>
    tpu.enqueue_dma source(%dma_start3A_76 : memref<16x1024xf32, #tpu.memory_space<hbm>>) target(%dma_start3A_72 : memref<16x1024xf32, #tpu.memory_space<vmem>>) target_semaphore(%dma_start3A_68 : memref<!tpu.dma_semaphore, #tpu.memory_space<semaphore_mem>>)
    %mul3A_77 = arith.constant 32 : i32
    %mul3A_78 = arith.muli %select_n3A_30, %mul3A_77 : i32
    %dma_start3A_79 = arith.constant 0 : i32
    %dma_start3A_80 = arith.constant 0 : i32
    %dma_start3A_81 = arith.constant 0 : i32
    %dma_start3A_82 = arith.constant 0 : i32
    %dma_start3A_83 = tpu.memref_slice %arg11[%dma_start3A_79, %dma_start3A_81, %dma_start3A_82] : memref<2x128x32xf32, #tpu.memory_space<vmem>> -> memref<1x128x32xf32, #tpu.memory_space<vmem>>
    %dma_start3A_84 = tpu.memref_squeeze %dma_start3A_83 : memref<1x128x32xf32, #tpu.memory_space<vmem>> -> memref<128x32xf32, #tpu.memory_space<vmem>>
    %dma_start3A_85 = arith.constant 0 : i32
    %dma_start3A_86 = tpu.memref_slice %arg3[%select_n3A, %dma_start3A_85, %mul3A_78] : memref<8x2048x128xf32, #tpu.memory_space<hbm>> -> memref<1x128x32xf32, #tpu.memory_space<hbm>>
    %dma_start3A_87 = tpu.memref_squeeze %dma_start3A_86 : memref<1x128x32xf32, #tpu.memory_space<hbm>> -> memref<128x32xf32, #tpu.memory_space<hbm>>
    %dma_start3A_88 = tpu.memref_slice %arg15[%dma_start3A_80] : memref<2x!tpu.dma_semaphore, #tpu.memory_space<semaphore_mem>> -> memref<1x!tpu.dma_semaphore, #tpu.memory_space<semaphore_mem>>
    %dma_start3A_89 = tpu.memref_squeeze %dma_start3A_88 : memref<1x!tpu.dma_semaphore, #tpu.memory_space<semaphore_mem>> -> memref<!tpu.dma_semaphore, #tpu.memory_space<semaphore_mem>>
    %dma_start3A_90 = arith.constant 0 : i32
    %dma_start3A_91 = arith.constant 0 : i32
    %dma_start3A_92 = tpu.memref_slice %arg11[%dma_start3A_79, %dma_start3A_90, %dma_start3A_91] : memref<2x128x32xf32, #tpu.memory_space<vmem>> -> memref<1x128x32xf32, #tpu.memory_space<vmem>>
    %dma_start3A_93 = tpu.memref_squeeze %dma_start3A_92 : memref<1x128x32xf32, #tpu.memory_space<vmem>> -> memref<128x32xf32, #tpu.memory_space<vmem>>
    %dma_start3A_94 = arith.constant 0 : i32
    %dma_start3A_95 = tpu.memref_slice %arg3[%select_n3A, %dma_start3A_94, %mul3A_78] : memref<8x2048x128xf32, #tpu.memory_space<hbm>> -> memref<1x128x32xf32, #tpu.memory_space<hbm>>
    %dma_start3A_96 = tpu.memref_squeeze %dma_start3A_95 : memref<1x128x32xf32, #tpu.memory_space<hbm>> -> memref<128x32xf32, #tpu.memory_space<hbm>>
    tpu.enqueue_dma source(%dma_start3A_96 : memref<128x32xf32, #tpu.memory_space<hbm>>) target(%dma_start3A_93 : memref<128x32xf32, #tpu.memory_space<vmem>>) target_semaphore(%dma_start3A_89 : memref<!tpu.dma_semaphore, #tpu.memory_space<semaphore_mem>>)
    %scan3A = arith.constant 0 : i32
    %scan3A_97 = arith.constant 0 : i32
    %scan3A_98 = arith.constant 16 : i32
    %scan3A_99 = arith.addi %scan3A_97, %scan3A_98 : i32
    %scan3A_100 = arith.constant 1 : i32
    scf.for %scan3A_104 = %scan3A_97 to %scan3A_99 step %scan3A_100  : i32 {
      %rem3A_105 = arith.constant 2 : i32
      %rem3A_106 = arith.remsi %scan3A_104, %rem3A_105 : i32
      %add3A_107 = arith.constant 1 : i32
      %add3A_108 = arith.addi %scan3A_104, %add3A_107 : i32
      %rem3A_109 = arith.constant 2 : i32
      %rem3A_110 = arith.remsi %add3A_108, %rem3A_109 : i32
      %lt3A_111 = arith.constant 15 : i32
      %lt3A_112 = arith.cmpi slt, %scan3A_104, %lt3A_111 : i32
      %convert_element_type3A = arith.extui %lt3A_112 : i1 to i32
      %cond3A = arith.constant 0 : i32
      %cond3A_113 = arith.cmpi ne, %convert_element_type3A, %cond3A : i32
      scf.if %cond3A_113 {
        %add3A_154 = arith.constant 1 : i32
        %add3A_155 = arith.addi %scan3A_104, %add3A_154 : i32
        %mul3A_156 = arith.constant 16 : i32
        %mul3A_157 = arith.muli %add3A_155, %mul3A_156 : i32
        %dma_start3A_158 = arith.constant 0 : i32
        %dma_start3A_159 = arith.constant 0 : i32
        %dma_start3A_160 = tpu.memref_slice %arg10[%rem3A_110, %dma_start3A_158, %dma_start3A_159] : memref<2x16x1024xf32, #tpu.memory_space<vmem>> -> memref<1x16x1024xf32, #tpu.memory_space<vmem>>
        %dma_start3A_161 = tpu.memref_squeeze %dma_start3A_160 : memref<1x16x1024xf32, #tpu.memory_space<vmem>> -> memref<16x1024xf32, #tpu.memory_space<vmem>>
        %dma_start3A_162 = arith.constant 0 : i32
        %dma_start3A_163 = tpu.memref_slice %arg2[%select_n3A, %mul3A_157, %select_n3A_30, %dma_start3A_162] : memref<8x256x4x1024xf32, #tpu.memory_space<hbm>> -> memref<1x16x1x1024xf32, #tpu.memory_space<hbm>>
        %dma_start3A_164 = tpu.memref_squeeze %dma_start3A_163 : memref<1x16x1x1024xf32, #tpu.memory_space<hbm>> -> memref<16x1024xf32, #tpu.memory_space<hbm>>
        %dma_start3A_165 = tpu.memref_slice %arg14[%rem3A_110] : memref<2x!tpu.dma_semaphore, #tpu.memory_space<semaphore_mem>> -> memref<1x!tpu.dma_semaphore, #tpu.memory_space<semaphore_mem>>
        %dma_start3A_166 = tpu.memref_squeeze %dma_start3A_165 : memref<1x!tpu.dma_semaphore, #tpu.memory_space<semaphore_mem>> -> memref<!tpu.dma_semaphore, #tpu.memory_space<semaphore_mem>>
        %dma_start3A_167 = arith.constant 0 : i32
        %dma_start3A_168 = arith.constant 0 : i32
        %dma_start3A_169 = tpu.memref_slice %arg10[%rem3A_110, %dma_start3A_167, %dma_start3A_168] : memref<2x16x1024xf32, #tpu.memory_space<vmem>> -> memref<1x16x1024xf32, #tpu.memory_space<vmem>>
        %dma_start3A_170 = tpu.memref_squeeze %dma_start3A_169 : memref<1x16x1024xf32, #tpu.memory_space<vmem>> -> memref<16x1024xf32, #tpu.memory_space<vmem>>
        %dma_start3A_171 = arith.constant 0 : i32
        %dma_start3A_172 = tpu.memref_slice %arg2[%select_n3A, %mul3A_157, %select_n3A_30, %dma_start3A_171] : memref<8x256x4x1024xf32, #tpu.memory_space<hbm>> -> memref<1x16x1x1024xf32, #tpu.memory_space<hbm>>
        %dma_start3A_173 = tpu.memref_squeeze %dma_start3A_172 : memref<1x16x1x1024xf32, #tpu.memory_space<hbm>> -> memref<16x1024xf32, #tpu.memory_space<hbm>>
        tpu.enqueue_dma source(%dma_start3A_173 : memref<16x1024xf32, #tpu.memory_space<hbm>>) target(%dma_start3A_170 : memref<16x1024xf32, #tpu.memory_space<vmem>>) target_semaphore(%dma_start3A_166 : memref<!tpu.dma_semaphore, #tpu.memory_space<semaphore_mem>>)
        %add3A_174 = arith.constant 1 : i32
        %add3A_175 = arith.addi %scan3A_104, %add3A_174 : i32
        %mul3A_176 = arith.constant 128 : i32
        %mul3A_177 = arith.muli %add3A_175, %mul3A_176 : i32
        %mul3A_178 = arith.constant 32 : i32
        %mul3A_179 = arith.muli %select_n3A_30, %mul3A_178 : i32
        %dma_start3A_180 = arith.constant 0 : i32
        %dma_start3A_181 = arith.constant 0 : i32
        %dma_start3A_182 = tpu.memref_slice %arg11[%rem3A_110, %dma_start3A_180, %dma_start3A_181] : memref<2x128x32xf32, #tpu.memory_space<vmem>> -> memref<1x128x32xf32, #tpu.memory_space<vmem>>
        %dma_start3A_183 = tpu.memref_squeeze %dma_start3A_182 : memref<1x128x32xf32, #tpu.memory_space<vmem>> -> memref<128x32xf32, #tpu.memory_space<vmem>>
        %dma_start3A_184 = tpu.memref_slice %arg3[%select_n3A, %mul3A_177, %mul3A_179] : memref<8x2048x128xf32, #tpu.memory_space<hbm>> -> memref<1x128x32xf32, #tpu.memory_space<hbm>>
        %dma_start3A_185 = tpu.memref_squeeze %dma_start3A_184 : memref<1x128x32xf32, #tpu.memory_space<hbm>> -> memref<128x32xf32, #tpu.memory_space<hbm>>
        %dma_start3A_186 = tpu.memref_slice %arg15[%rem3A_110] : memref<2x!tpu.dma_semaphore, #tpu.memory_space<semaphore_mem>> -> memref<1x!tpu.dma_semaphore, #tpu.memory_space<semaphore_mem>>
        %dma_start3A_187 = tpu.memref_squeeze %dma_start3A_186 : memref<1x!tpu.dma_semaphore, #tpu.memory_space<semaphore_mem>> -> memref<!tpu.dma_semaphore, #tpu.memory_space<semaphore_mem>>
        %dma_start3A_188 = arith.constant 0 : i32
        %dma_start3A_189 = arith.constant 0 : i32
        %dma_start3A_190 = tpu.memref_slice %arg11[%rem3A_110, %dma_start3A_188, %dma_start3A_189] : memref<2x128x32xf32, #tpu.memory_space<vmem>> -> memref<1x128x32xf32, #tpu.memory_space<vmem>>
        %dma_start3A_191 = tpu.memref_squeeze %dma_start3A_190 : memref<1x128x32xf32, #tpu.memory_space<vmem>> -> memref<128x32xf32, #tpu.memory_space<vmem>>
        %dma_start3A_192 = tpu.memref_slice %arg3[%select_n3A, %mul3A_177, %mul3A_179] : memref<8x2048x128xf32, #tpu.memory_space<hbm>> -> memref<1x128x32xf32, #tpu.memory_space<hbm>>
        %dma_start3A_193 = tpu.memref_squeeze %dma_start3A_192 : memref<1x128x32xf32, #tpu.memory_space<hbm>> -> memref<128x32xf32, #tpu.memory_space<hbm>>
        tpu.enqueue_dma source(%dma_start3A_193 : memref<128x32xf32, #tpu.memory_space<hbm>>) target(%dma_start3A_191 : memref<128x32xf32, #tpu.memory_space<vmem>>) target_semaphore(%dma_start3A_187 : memref<!tpu.dma_semaphore, #tpu.memory_space<semaphore_mem>>)
      } else {
      }
      %mul3A_114 = arith.constant 16 : i32
      %mul3A_115 = arith.muli %scan3A_104, %mul3A_114 : i32
      %dma_wait3A = arith.constant 0 : i32
      %dma_wait3A_116 = arith.constant 0 : i32
      %dma_wait3A_117 = tpu.memref_slice %arg10[%rem3A_106, %dma_wait3A, %dma_wait3A_116] : memref<2x16x1024xf32, #tpu.memory_space<vmem>> -> memref<1x16x1024xf32, #tpu.memory_space<vmem>>
      %dma_wait3A_118 = tpu.memref_squeeze %dma_wait3A_117 : memref<1x16x1024xf32, #tpu.memory_space<vmem>> -> memref<16x1024xf32, #tpu.memory_space<vmem>>
      %dma_wait3A_119 = arith.constant 0 : i32
      %dma_wait3A_120 = tpu.memref_slice %arg2[%select_n3A, %mul3A_115, %select_n3A_30, %dma_wait3A_119] : memref<8x256x4x1024xf32, #tpu.memory_space<hbm>> -> memref<1x16x1x1024xf32, #tpu.memory_space<hbm>>
      %dma_wait3A_121 = tpu.memref_squeeze %dma_wait3A_120 : memref<1x16x1x1024xf32, #tpu.memory_space<hbm>> -> memref<16x1024xf32, #tpu.memory_space<hbm>>
      %dma_wait3A_122 = tpu.memref_slice %arg14[%rem3A_106] : memref<2x!tpu.dma_semaphore, #tpu.memory_space<semaphore_mem>> -> memref<1x!tpu.dma_semaphore, #tpu.memory_space<semaphore_mem>>
      %dma_wait3A_123 = tpu.memref_squeeze %dma_wait3A_122 : memref<1x!tpu.dma_semaphore, #tpu.memory_space<semaphore_mem>> -> memref<!tpu.dma_semaphore, #tpu.memory_space<semaphore_mem>>
      %dma_wait3A_124 = arith.constant 0 : i32
      %dma_wait3A_125 = arith.constant 0 : i32
      %dma_wait3A_126 = tpu.memref_slice %arg10[%rem3A_106, %dma_wait3A_124, %dma_wait3A_125] : memref<2x16x1024xf32, #tpu.memory_space<vmem>> -> memref<1x16x1024xf32, #tpu.memory_space<vmem>>
      %dma_wait3A_127 = tpu.memref_squeeze %dma_wait3A_126 : memref<1x16x1024xf32, #tpu.memory_space<vmem>> -> memref<16x1024xf32, #tpu.memory_space<vmem>>
      %dma_wait3A_128 = arith.constant 0 : i32
      %dma_wait3A_129 = tpu.memref_slice %arg2[%select_n3A, %mul3A_115, %select_n3A_30, %dma_wait3A_128] : memref<8x256x4x1024xf32, #tpu.memory_space<hbm>> -> memref<1x16x1x1024xf32, #tpu.memory_space<hbm>>
      %dma_wait3A_130 = tpu.memref_squeeze %dma_wait3A_129 : memref<1x16x1x1024xf32, #tpu.memory_space<hbm>> -> memref<16x1024xf32, #tpu.memory_space<hbm>>
      tpu.wait_dma2 semaphore(%dma_wait3A_123 : memref<!tpu.dma_semaphore, #tpu.memory_space<semaphore_mem>>) src(%dma_wait3A_130 : memref<16x1024xf32, #tpu.memory_space<hbm>>) dst(%dma_wait3A_127 : memref<16x1024xf32, #tpu.memory_space<vmem>>)
      %mul3A_131 = arith.constant 128 : i32
      %mul3A_132 = arith.muli %scan3A_104, %mul3A_131 : i32
      %mul3A_133 = arith.constant 32 : i32
      %mul3A_134 = arith.muli %select_n3A_30, %mul3A_133 : i32
      %dma_wait3A_135 = arith.constant 0 : i32
      %dma_wait3A_136 = arith.constant 0 : i32
      %dma_wait3A_137 = tpu.memref_slice %arg11[%rem3A_106, %dma_wait3A_135, %dma_wait3A_136] : memref<2x128x32xf32, #tpu.memory_space<vmem>> -> memref<1x128x32xf32, #tpu.memory_space<vmem>>
      %dma_wait3A_138 = tpu.memref_squeeze %dma_wait3A_137 : memref<1x128x32xf32, #tpu.memory_space<vmem>> -> memref<128x32xf32, #tpu.memory_space<vmem>>
      %dma_wait3A_139 = tpu.memref_slice %arg3[%select_n3A, %mul3A_132, %mul3A_134] : memref<8x2048x128xf32, #tpu.memory_space<hbm>> -> memref<1x128x32xf32, #tpu.memory_space<hbm>>
      %dma_wait3A_140 = tpu.memref_squeeze %dma_wait3A_139 : memref<1x128x32xf32, #tpu.memory_space<hbm>> -> memref<128x32xf32, #tpu.memory_space<hbm>>
      %dma_wait3A_141 = tpu.memref_slice %arg15[%rem3A_106] : memref<2x!tpu.dma_semaphore, #tpu.memory_space<semaphore_mem>> -> memref<1x!tpu.dma_semaphore, #tpu.memory_space<semaphore_mem>>
      %dma_wait3A_142 = tpu.memref_squeeze %dma_wait3A_141 : memref<1x!tpu.dma_semaphore, #tpu.memory_space<semaphore_mem>> -> memref<!tpu.dma_semaphore, #tpu.memory_space<semaphore_mem>>
      %dma_wait3A_143 = arith.constant 0 : i32
      %dma_wait3A_144 = arith.constant 0 : i32
      %dma_wait3A_145 = tpu.memref_slice %arg11[%rem3A_106, %dma_wait3A_143, %dma_wait3A_144] : memref<2x128x32xf32, #tpu.memory_space<vmem>> -> memref<1x128x32xf32, #tpu.memory_space<vmem>>
      %dma_wait3A_146 = tpu.memref_squeeze %dma_wait3A_145 : memref<1x128x32xf32, #tpu.memory_space<vmem>> -> memref<128x32xf32, #tpu.memory_space<vmem>>
      %dma_wait3A_147 = tpu.memref_slice %arg3[%select_n3A, %mul3A_132, %mul3A_134] : memref<8x2048x128xf32, #tpu.memory_space<hbm>> -> memref<1x128x32xf32, #tpu.memory_space<hbm>>
      %dma_wait3A_148 = tpu.memref_squeeze %dma_wait3A_147 : memref<1x128x32xf32, #tpu.memory_space<hbm>> -> memref<128x32xf32, #tpu.memory_space<hbm>>
      tpu.wait_dma2 semaphore(%dma_wait3A_142 : memref<!tpu.dma_semaphore, #tpu.memory_space<semaphore_mem>>) src(%dma_wait3A_148 : memref<128x32xf32, #tpu.memory_space<hbm>>) dst(%dma_wait3A_146 : memref<128x32xf32, #tpu.memory_space<vmem>>)
      %mul3A_149 = arith.constant 128 : i32
      %mul3A_150 = arith.muli %scan3A_104, %mul3A_149 : i32
      %parallel_loop3A_151 = arith.constant 0 : i32
      %parallel_loop3A_152 = arith.constant 128 : i32
      %parallel_loop3A_153 = arith.constant 1 : i32
      scf.for %parallel_loop3A_154 = %parallel_loop3A_151 to %parallel_loop3A_152 step %parallel_loop3A_153  : i32 {
        %parallel_loop3A_155 = arith.addi %mul3A_150, %parallel_loop3A_154 : i32
        %parallel_loop3A_156 = vector.broadcast %parallel_loop3A_155 : i32 to vector<16xi32>
        %parallel_loop3A_157 = tpu.vector_load_idx %arg8[%parallel_loop3A_156] : memref<2048xi32, #tpu.memory_space<vmem>>[vector<16xi32>], vector<16xi32>,
        %parallel_loop3A_158 = tpu.vector_load_idx %arg9[%parallel_loop3A_156] : memref<2048xf32, #tpu.memory_space<vmem>>[vector<16xi32>], vector<16xf32>,
        %parallel_loop3A_159 = arith.constant 3 : i32
        %parallel_loop3A_160 = vector.broadcast %parallel_loop3A_159 : i32 to vector<16xi32>
        %parallel_loop3A_161 = arith.shrsi %parallel_loop3A_157, %parallel_loop3A_160 : vector<16xi32>
        %parallel_loop3A_162 = arith.constant 7 : i32
        %parallel_loop3A_163 = vector.broadcast %parallel_loop3A_162 : i32 to vector<16xi32>
        %parallel_loop3A_164 = arith.andi %parallel_loop3A_157, %parallel_loop3A_163 : vector<16xi32>
        %parallel_loop3A_165 = arith.constant 3 : i32
        %parallel_loop3A_166 = arith.shrsi %parallel_loop3A_154, %parallel_loop3A_165 : i32
        %parallel_loop3A_167 = arith.constant 7 : i32
        %parallel_loop3A_168 = arith.andi %parallel_loop3A_154, %parallel_loop3A_167 : i32
        %parallel_loop3A_169 = arith.constant 128 : i32
        %parallel_loop3A_170 = arith.muli %parallel_loop3A_168, %parallel_loop3A_169 : i32
        %parallel_loop3A_171 = arith.constant 0 : i32
        %parallel_loop3A_172 = arith.addi %parallel_loop3A_170, %parallel_loop3A_171 : i32
        %parallel_loop3A_173 = arith.index_cast %rem3A_106 : i32 to index
        %parallel_loop3A_174 = arith.index_cast %parallel_loop3A_166 : i32 to index
        %parallel_loop3A_175 = arith.index_cast %parallel_loop3A_172 : i32 to index
        %parallel_loop3A_176 = tpu.vector_load %arg10[%parallel_loop3A_173, %parallel_loop3A_174, %parallel_loop3A_175] {strides = array<i32>} : memref<2x16x1024xf32, #tpu.memory_space<vmem>>, vector<16xf32>,
        %parallel_loop3A_177 = arith.mulf %parallel_loop3A_176, %parallel_loop3A_158 : vector<16xf32>
        tpu.vector_store_idx %arg12[%parallel_loop3A_161, %parallel_loop3A_164, %add3A_34], %parallel_loop3A_177 {add = true} : memref<32x8x128xf32, #tpu.memory_space<vmem>>[vector<16xi32>, vector<16xi32>, vector<16xi32>], vector<16xf32>,
        %parallel_loop3A_178 = arith.constant 16 : i32
        %parallel_loop3A_179 = arith.addi %parallel_loop3A_170, %parallel_loop3A_178 : i32
        %parallel_loop3A_180 = arith.index_cast %rem3A_106 : i32 to index
        %parallel_loop3A_181 = arith.index_cast %parallel_loop3A_166 : i32 to index
        %parallel_loop3A_182 = arith.index_cast %parallel_loop3A_179 : i32 to index
        %parallel_loop3A_183 = tpu.vector_load %arg10[%parallel_loop3A_180, %parallel_loop3A_181, %parallel_loop3A_182] {strides = array<i32>} : memref<2x16x1024xf32, #tpu.memory_space<vmem>>, vector<16xf32>,
        %parallel_loop3A_184 = arith.mulf %parallel_loop3A_183, %parallel_loop3A_158 : vector<16xf32>
        tpu.vector_store_idx %arg12[%parallel_loop3A_161, %parallel_loop3A_164, %add3A_37], %parallel_loop3A_184 {add = true} : memref<32x8x128xf32, #tpu.memory_space<vmem>>[vector<16xi32>, vector<16xi32>, vector<16xi32>], vector<16xf32>,
        %parallel_loop3A_185 = arith.constant 32 : i32
        %parallel_loop3A_186 = arith.addi %parallel_loop3A_170, %parallel_loop3A_185 : i32
        %parallel_loop3A_187 = arith.index_cast %rem3A_106 : i32 to index
        %parallel_loop3A_188 = arith.index_cast %parallel_loop3A_166 : i32 to index
        %parallel_loop3A_189 = arith.index_cast %parallel_loop3A_186 : i32 to index
        %parallel_loop3A_190 = tpu.vector_load %arg10[%parallel_loop3A_187, %parallel_loop3A_188, %parallel_loop3A_189] {strides = array<i32>} : memref<2x16x1024xf32, #tpu.memory_space<vmem>>, vector<16xf32>,
        %parallel_loop3A_191 = arith.mulf %parallel_loop3A_190, %parallel_loop3A_158 : vector<16xf32>
        tpu.vector_store_idx %arg12[%parallel_loop3A_161, %parallel_loop3A_164, %add3A_40], %parallel_loop3A_191 {add = true} : memref<32x8x128xf32, #tpu.memory_space<vmem>>[vector<16xi32>, vector<16xi32>, vector<16xi32>], vector<16xf32>,
        %parallel_loop3A_192 = arith.constant 48 : i32
        %parallel_loop3A_193 = arith.addi %parallel_loop3A_170, %parallel_loop3A_192 : i32
        %parallel_loop3A_194 = arith.index_cast %rem3A_106 : i32 to index
        %parallel_loop3A_195 = arith.index_cast %parallel_loop3A_166 : i32 to index
        %parallel_loop3A_196 = arith.index_cast %parallel_loop3A_193 : i32 to index
        %parallel_loop3A_197 = tpu.vector_load %arg10[%parallel_loop3A_194, %parallel_loop3A_195, %parallel_loop3A_196] {strides = array<i32>} : memref<2x16x1024xf32, #tpu.memory_space<vmem>>, vector<16xf32>,
        %parallel_loop3A_198 = arith.mulf %parallel_loop3A_197, %parallel_loop3A_158 : vector<16xf32>
        tpu.vector_store_idx %arg12[%parallel_loop3A_161, %parallel_loop3A_164, %add3A_43], %parallel_loop3A_198 {add = true} : memref<32x8x128xf32, #tpu.memory_space<vmem>>[vector<16xi32>, vector<16xi32>, vector<16xi32>], vector<16xf32>,
        %parallel_loop3A_199 = arith.constant 64 : i32
        %parallel_loop3A_200 = arith.addi %parallel_loop3A_170, %parallel_loop3A_199 : i32
        %parallel_loop3A_201 = arith.index_cast %rem3A_106 : i32 to index
        %parallel_loop3A_202 = arith.index_cast %parallel_loop3A_166 : i32 to index
        %parallel_loop3A_203 = arith.index_cast %parallel_loop3A_200 : i32 to index
        %parallel_loop3A_204 = tpu.vector_load %arg10[%parallel_loop3A_201, %parallel_loop3A_202, %parallel_loop3A_203] {strides = array<i32>} : memref<2x16x1024xf32, #tpu.memory_space<vmem>>, vector<16xf32>,
        %parallel_loop3A_205 = arith.mulf %parallel_loop3A_204, %parallel_loop3A_158 : vector<16xf32>
        tpu.vector_store_idx %arg12[%parallel_loop3A_161, %parallel_loop3A_164, %add3A_46], %parallel_loop3A_205 {add = true} : memref<32x8x128xf32, #tpu.memory_space<vmem>>[vector<16xi32>, vector<16xi32>, vector<16xi32>], vector<16xf32>,
        %parallel_loop3A_206 = arith.constant 80 : i32
        %parallel_loop3A_207 = arith.addi %parallel_loop3A_170, %parallel_loop3A_206 : i32
        %parallel_loop3A_208 = arith.index_cast %rem3A_106 : i32 to index
        %parallel_loop3A_209 = arith.index_cast %parallel_loop3A_166 : i32 to index
        %parallel_loop3A_210 = arith.index_cast %parallel_loop3A_207 : i32 to index
        %parallel_loop3A_211 = tpu.vector_load %arg10[%parallel_loop3A_208, %parallel_loop3A_209, %parallel_loop3A_210] {strides = array<i32>} : memref<2x16x1024xf32, #tpu.memory_space<vmem>>, vector<16xf32>,
        %parallel_loop3A_212 = arith.mulf %parallel_loop3A_211, %parallel_loop3A_158 : vector<16xf32>
        tpu.vector_store_idx %arg12[%parallel_loop3A_161, %parallel_loop3A_164, %add3A_49], %parallel_loop3A_212 {add = true} : memref<32x8x128xf32, #tpu.memory_space<vmem>>[vector<16xi32>, vector<16xi32>, vector<16xi32>], vector<16xf32>,
        %parallel_loop3A_213 = arith.constant 96 : i32
        %parallel_loop3A_214 = arith.addi %parallel_loop3A_170, %parallel_loop3A_213 : i32
        %parallel_loop3A_215 = arith.index_cast %rem3A_106 : i32 to index
        %parallel_loop3A_216 = arith.index_cast %parallel_loop3A_166 : i32 to index
        %parallel_loop3A_217 = arith.index_cast %parallel_loop3A_214 : i32 to index
        %parallel_loop3A_218 = tpu.vector_load %arg10[%parallel_loop3A_215, %parallel_loop3A_216, %parallel_loop3A_217] {strides = array<i32>} : memref<2x16x1024xf32, #tpu.memory_space<vmem>>, vector<16xf32>,
        %parallel_loop3A_219 = arith.mulf %parallel_loop3A_218, %parallel_loop3A_158 : vector<16xf32>
        tpu.vector_store_idx %arg12[%parallel_loop3A_161, %parallel_loop3A_164, %add3A_52], %parallel_loop3A_219 {add = true} : memref<32x8x128xf32, #tpu.memory_space<vmem>>[vector<16xi32>, vector<16xi32>, vector<16xi32>], vector<16xf32>,
        %parallel_loop3A_220 = arith.constant 112 : i32
        %parallel_loop3A_221 = arith.addi %parallel_loop3A_170, %parallel_loop3A_220 : i32
        %parallel_loop3A_222 = arith.index_cast %rem3A_106 : i32 to index
        %parallel_loop3A_223 = arith.index_cast %parallel_loop3A_166 : i32 to index
        %parallel_loop3A_224 = arith.index_cast %parallel_loop3A_221 : i32 to index
        %parallel_loop3A_225 = tpu.vector_load %arg10[%parallel_loop3A_222, %parallel_loop3A_223, %parallel_loop3A_224] {strides = array<i32>} : memref<2x16x1024xf32, #tpu.memory_space<vmem>>, vector<16xf32>,
        %parallel_loop3A_226 = arith.mulf %parallel_loop3A_225, %parallel_loop3A_158 : vector<16xf32>
        tpu.vector_store_idx %arg12[%parallel_loop3A_161, %parallel_loop3A_164, %add3A_55], %parallel_loop3A_226 {add = true} : memref<32x8x128xf32, #tpu.memory_space<vmem>>[vector<16xi32>, vector<16xi32>, vector<16xi32>], vector<16xf32>,
        %parallel_loop3A_227 = arith.index_cast %rem3A_106 : i32 to index
        %parallel_loop3A_228 = arith.index_cast %parallel_loop3A_154 : i32 to index
        %parallel_loop3A_229 = arith.constant 0 : index
        %parallel_loop3A_230 = tpu.vector_load %arg11[%parallel_loop3A_227, %parallel_loop3A_228, %parallel_loop3A_229] {strides = array<i32>} : memref<2x128x32xf32, #tpu.memory_space<vmem>>, vector<16xf32>,
        %parallel_loop3A_231 = arith.mulf %parallel_loop3A_230, %parallel_loop3A_158 : vector<16xf32>
        tpu.vector_store_idx %arg13[%parallel_loop3A_157, %add3A_34], %parallel_loop3A_231 {add = true} : memref<256x32xf32, #tpu.memory_space<vmem>>[vector<16xi32>, vector<16xi32>], vector<16xf32>,
        %parallel_loop3A_232 = arith.index_cast %rem3A_106 : i32 to index
        %parallel_loop3A_233 = arith.index_cast %parallel_loop3A_154 : i32 to index
        %parallel_loop3A_234 = arith.constant 16 : index
        %parallel_loop3A_235 = tpu.vector_load %arg11[%parallel_loop3A_232, %parallel_loop3A_233, %parallel_loop3A_234] {strides = array<i32>} : memref<2x128x32xf32, #tpu.memory_space<vmem>>, vector<16xf32>,
        %parallel_loop3A_236 = arith.mulf %parallel_loop3A_235, %parallel_loop3A_158 : vector<16xf32>
        tpu.vector_store_idx %arg13[%parallel_loop3A_157, %add3A_37], %parallel_loop3A_236 {add = true} : memref<256x32xf32, #tpu.memory_space<vmem>>[vector<16xi32>, vector<16xi32>], vector<16xf32>,
      } {sc.loop_unroll_factor = 4 : i64, sc.parallel_access}
    }
    %scan3A_101 = arith.constant 16 : i32
    "tpu.region"() ({
      %run_scoped3A = tpu.sem_alloc : memref<!tpu.dma_semaphore, #tpu.memory_space<semaphore_mem>>
      %dma_start3A_104 = arith.constant 0 : i32
      %dma_start3A_105 = arith.constant 0 : i32
      %dma_start3A_106 = arith.constant 0 : i32
      %dma_start3A_107 = tpu.memref_slice %arg6[%select_n3A, %dma_start3A_104, %select_n3A_30, %dma_start3A_105, %dma_start3A_106] : memref<8x32x4x8x128xf32, #tpu.memory_space<hbm>> -> memref<1x32x1x8x128xf32, #tpu.memory_space<hbm>>
      %dma_start3A_108 = tpu.memref_squeeze %dma_start3A_107 : memref<1x32x1x8x128xf32, #tpu.memory_space<hbm>> -> memref<32x8x128xf32, #tpu.memory_space<hbm>>
      %dma_start3A_109 = arith.constant 0 : i32
      %dma_start3A_110 = arith.constant 0 : i32
      %dma_start3A_111 = arith.constant 0 : i32
      %dma_start3A_112 = tpu.memref_slice %arg6[%select_n3A, %dma_start3A_109, %select_n3A_30, %dma_start3A_110, %dma_start3A_111] : memref<8x32x4x8x128xf32, #tpu.memory_space<hbm>> -> memref<1x32x1x8x128xf32, #tpu.memory_space<hbm>>
      %dma_start3A_113 = tpu.memref_squeeze %dma_start3A_112 : memref<1x32x1x8x128xf32, #tpu.memory_space<hbm>> -> memref<32x8x128xf32, #tpu.memory_space<hbm>>
      tpu.enqueue_dma source(%arg12 : memref<32x8x128xf32, #tpu.memory_space<vmem>>) target(%dma_start3A_113 : memref<32x8x128xf32, #tpu.memory_space<hbm>>) target_semaphore(%run_scoped3A : memref<!tpu.dma_semaphore, #tpu.memory_space<semaphore_mem>>)
      %dma_wait3A = arith.constant 0 : i32
      %dma_wait3A_114 = arith.constant 0 : i32
      %dma_wait3A_115 = arith.constant 0 : i32
      %dma_wait3A_116 = tpu.memref_slice %arg6[%select_n3A, %dma_wait3A, %select_n3A_30, %dma_wait3A_114, %dma_wait3A_115] : memref<8x32x4x8x128xf32, #tpu.memory_space<hbm>> -> memref<1x32x1x8x128xf32, #tpu.memory_space<hbm>>
      %dma_wait3A_117 = tpu.memref_squeeze %dma_wait3A_116 : memref<1x32x1x8x128xf32, #tpu.memory_space<hbm>> -> memref<32x8x128xf32, #tpu.memory_space<hbm>>
      %dma_wait3A_118 = arith.constant 0 : i32
      %dma_wait3A_119 = arith.constant 0 : i32
      %dma_wait3A_120 = arith.constant 0 : i32
      %dma_wait3A_121 = tpu.memref_slice %arg6[%select_n3A, %dma_wait3A_118, %select_n3A_30, %dma_wait3A_119, %dma_wait3A_120] : memref<8x32x4x8x128xf32, #tpu.memory_space<hbm>> -> memref<1x32x1x8x128xf32, #tpu.memory_space<hbm>>
      %dma_wait3A_122 = tpu.memref_squeeze %dma_wait3A_121 : memref<1x32x1x8x128xf32, #tpu.memory_space<hbm>> -> memref<32x8x128xf32, #tpu.memory_space<hbm>>
      tpu.wait_dma2 semaphore(%run_scoped3A : memref<!tpu.dma_semaphore, #tpu.memory_space<semaphore_mem>>) src(%arg12 : memref<32x8x128xf32, #tpu.memory_space<vmem>>) dst(%dma_wait3A_122 : memref<32x8x128xf32, #tpu.memory_space<hbm>>)
      tpu.yield
    }) : () -> ()
    %mul3A_102 = arith.constant 32 : i32
    %mul3A_103 = arith.muli %select_n3A_30, %mul3A_102 : i32
    "tpu.region"() ({
      %run_scoped3A = tpu.sem_alloc : memref<!tpu.dma_semaphore, #tpu.memory_space<semaphore_mem>>
      %dma_start3A_104 = arith.constant 0 : i32
      %dma_start3A_105 = tpu.memref_slice %arg7[%select_n3A, %dma_start3A_104, %mul3A_103] : memref<8x256x128xf32, #tpu.memory_space<hbm>> -> memref<1x256x32xf32, #tpu.memory_space<hbm>>
      %dma_start3A_106 = tpu.memref_squeeze %dma_start3A_105 : memref<1x256x32xf32, #tpu.memory_space<hbm>> -> memref<256x32xf32, #tpu.memory_space<hbm>>
      %dma_start3A_107 = arith.constant 0 : i32
      %dma_start3A_108 = tpu.memref_slice %arg7[%select_n3A, %dma_start3A_107, %mul3A_103] : memref<8x256x128xf32, #tpu.memory_space<hbm>> -> memref<1x256x32xf32, #tpu.memory_space<hbm>>
      %dma_start3A_109 = tpu.memref_squeeze %dma_start3A_108 : memref<1x256x32xf32, #tpu.memory_space<hbm>> -> memref<256x32xf32, #tpu.memory_space<hbm>>
      tpu.enqueue_dma source(%arg13 : memref<256x32xf32, #tpu.memory_space<vmem>>) target(%dma_start3A_109 : memref<256x32xf32, #tpu.memory_space<hbm>>) target_semaphore(%run_scoped3A : memref<!tpu.dma_semaphore, #tpu.memory_space<semaphore_mem>>)
      %dma_wait3A = arith.constant 0 : i32
      %dma_wait3A_110 = tpu.memref_slice %arg7[%select_n3A, %dma_wait3A, %mul3A_103] : memref<8x256x128xf32, #tpu.memory_space<hbm>> -> memref<1x256x32xf32, #tpu.memory_space<hbm>>
      %dma_wait3A_111 = tpu.memref_squeeze %dma_wait3A_110 : memref<1x256x32xf32, #tpu.memory_space<hbm>> -> memref<256x32xf32, #tpu.memory_space<hbm>>
      %dma_wait3A_112 = arith.constant 0 : i32
      %dma_wait3A_113 = tpu.memref_slice %arg7[%select_n3A, %dma_wait3A_112, %mul3A_103] : memref<8x256x128xf32, #tpu.memory_space<hbm>> -> memref<1x256x32xf32, #tpu.memory_space<hbm>>
      %dma_wait3A_114 = tpu.memref_squeeze %dma_wait3A_113 : memref<1x256x32xf32, #tpu.memory_space<hbm>> -> memref<256x32xf32, #tpu.memory_space<hbm>>
      tpu.wait_dma2 semaphore(%run_scoped3A : memref<!tpu.dma_semaphore, #tpu.memory_space<semaphore_mem>>) src(%arg13 : memref<256x32xf32, #tpu.memory_space<vmem>>) dst(%dma_wait3A_114 : memref<256x32xf32, #tpu.memory_space<hbm>>)
      tpu.yield
    }) : () -> ()
    return
  }
}

</mosaic_0001>

<sc_bundles>
// kernel: kernel.3.cloned.1.call-start
scs
__scs_entry_jumppad:
0x0: {  	(pc) =	sbr.rel $0x88, $3  }
0x1: {  	(tag) =	ssettag $0x0;
	lr =	simm.s32 $0x1  }
0x2: {  	[smem:$0x3F9F] =	sst lr;
	_ =	strace $0xD0000000  }
0x3: {  	_ = 	snop  }
0x4: {  	_ = 	snop  }
0x5: {  	_ = 	snop  }
0x6: {  	_ = 	snop  }
0x7: {  	_ = 	snop  }
__scs_overlays_trampoline_lowered:
0x8: {  	[smem:$0x3FAE] =	sst s0  }
0x9: {  	[smem:$0x3FAF] =	sst s1  }
0xa: {  	[smem:$0x3FB0] =	sst s2  }
0xb: {  	[smem:$0x3FB1] =	sst s3  }
0xc: {  	[smem:$0x3FB2] =	sst s4  }
0xd: {  	[smem:$0x3FB3] =	sst s5  }
0xe: {  	[smem:$0x3FB4] =	sst s6  }
0xf: {  	[smem:$0x3FB5] =	sst s7  }
0x10: {  	[smem:$0x3FB6] =	sst s8  }
0x11: {  	[smem:$0x3FB7] =	sst s9;
	s0 =	simm.s32 @!p0 $0x0  }
0x12: {  	s1 =	sld [smem:$0x3F9D];
	s0 =	simm.s32 @p0 $0x1  }
0x13: {  	[smem:$0x3FB8] =	sst s0;
	s0 =	simm.s32 @!p1 $0x0  }
0x14: {  	s2 =	sld [smem:$0x3F9C];
	s0 =	simm.s32 @p1 $0x1  }
0x15: {  	[smem:$0x3FB9] =	sst s0;
	s0 =	simm.s32 @!p2 $0x0  }
0x16: {  	s3 =	sld [smem:$0x3FDB];
	s0 =	simm.s32 @p2 $0x1  }
0x17: {  	s4 =	simm.s32 $0x1BF5;
	[smem:$0x3FBB] =	sst s0  }
0x18: {  	s0 =	sld [smem:$0x3F9E];
	_ =	swait.ge [sflag:s4], $0x0  }
0x19: {  	s7 =	sld [smem:$0x3F9F]  }
0x1a: {  	s8 =	sadd.s32 $0xFFFFE003, lr  }
0x1b: {  	s9 =	sadd.s32 $0xFFFFFEF7, lr;
	s5 =	simm.s32 $0xFFFFFFFF;
	p2 =	slt.u32 s8, $0xFFFFF086  }
0x1c: {  	p1 =	slt.u32 s9, $0xF7A;
	s5 =	simm.s32 @!p2 $0x0  }
0x1d: {  	s5 =	simm.s32 @p1 $0x1;
	p0 =	seq.s32 s7, s2  }
0x1e: {  	s7 =	smul.u32 @!p0 $0xF7A, s2;
	p2 =	seq.s32 @!p0 s5, $0x0  }
0x1f: {  	s9 =	smul.u32 $0xF7A, s1;
	s8 =	simm.s32 @!p0 $0x1BF5;
	p2 =	por !p2, p0  }
0x20: {  	[sflag:s8] =	ssyncset.s32 @!p0 $0xFFFFF086;
	s6 =	sadd.s32 @!p0 s3, s7;
	s7 =	simm.s32 @!p0 $0x108  }
0x21: {  	s3 =	sadd.s32 s3, s9;
	s6 =	sadd.s32 @!p0 $0x88, s6;
	s7 =	simm.s32 @p2 $0x1082  }
0x22: {  	[simem:s7], [sflag:s8] =	dma.local @!p0 [hbm:s6], $0xF7A  }
0x23: {  	s9 =	sor.u32 $0xD0000000, s2;
	s6 =	simm.s32 $0x108;
	_ =	swait.ge @!p0 [sflag:s8], $0x0  }
0x24: {  	s3 =	sadd.s32 $0x88, s3;
	s6 =	simm.s32 @!p1 $0x1082;
	[sflag:s4] =	ssyncset.s32 $0xFFFFF086  }
0x25: {  	[simem:s6], [sflag:s4] =	dma.local [hbm:s3], $0xF7A  }
0x26: {  	[smem:$0x3F9F] =	sst s1;
	(tag) =	ssettag s2;
	_ =	strace s9  }
0x27: {  	s1 =	sld [smem:$0x3FAF]  }
0x28: {  	s2 =	sld [smem:$0x3FB0]  }
0x29: {  	s4 =	sld [smem:$0x3FB2]  }
0x2a: {  	p0 =	seq.s32 s5, $0x0;
	s5 =	sld [smem:$0x3FB3]  }
0x2b: {  	s6 =	sld [smem:$0x3FB4]  }
0x2c: {  	s7 =	sld [smem:$0x3FB5]  }
0x2d: {  	s3 =	simm.s32 $0x108;
	s8 =	sld [smem:$0x3FB6]  }
0x2e: {  	s3 =	simm.s32 @!p0 $0x1082;
	s9 =	sld [smem:$0x3FB7]  }
0x2f: {  	lr =	sadd.s32 s0, s3;
	s0 =	sld [smem:$0x3FAE]  }
0x30: {  	s3 =	sld [smem:$0x3FB1]  }
0x31: {  	[smem:$0x3FBA] =	sst s10  }
0x32: {  	s10 =	sld [smem:$0x3FB8];
	_ =	sdelay $0x3  }
0x33: {  	p0 =	seq.s32 s10, $0x1;
	s10 =	sld [smem:$0x3FBA];
	_ =	sdelay $0x3  }
0x34: {  	[smem:$0x3FBA] =	sst s10  }
0x35: {  	s10 =	sld [smem:$0x3FB9];
	_ =	sdelay $0x3  }
0x36: {  	p1 =	seq.s32 s10, $0x1;
	s10 =	sld [smem:$0x3FBA];
	_ =	sdelay $0x3  }
0x37: {  	[smem:$0x3FBA] =	sst s10  }
0x38: {  	s10 =	sld [smem:$0x3FBB]  }
0x39: {  	_ = 	snop;
	(pc) =	sbr.ind lr, $3  }
0x3a: {  	_ = 	snop  }
0x3b: {  	_ = 	snop  }
0x3c: {  	p2 =	seq.s32 s10, $0x1;
	s10 =	sld [smem:$0x3FBA]  }
0x3d: {  	_ =	shalt  }
0x3e: {  	_ =	shalt  }
0x3f: {  	_ =	shalt  }
0x40: {  	_ =	shalt  }
0x41: {  	_ =	shalt  }
0x42: {  	_ =	shalt  }
0x43: {  	_ =	shalt  }
0x44: {  	_ =	shalt  }
0x45: {  	_ =	shalt  }
0x46: {  	_ =	shalt  }
0x47: {  	_ =	shalt  }
0x48: {  	_ =	shalt  }
0x49: {  	_ =	shalt  }
0x4a: {  	_ =	shalt  }
0x4b: {  	_ =	shalt  }
0x4c: {  	_ =	shalt  }
0x4d: {  	_ =	shalt  }
0x4e: {  	_ =	shalt  }
0x4f: {  	_ =	shalt  }
0x50: {  	_ =	shalt  }
0x51: {  	_ =	shalt  }
0x52: {  	_ =	shalt  }
0x53: {  	_ =	shalt  }
0x54: {  	_ =	shalt  }
0x55: {  	_ =	shalt  }
0x56: {  	_ =	shalt  }
0x57: {  	_ =	shalt  }
0x58: {  	_ =	shalt  }
0x59: {  	_ =	shalt  }
0x5a: {  	_ =	shalt  }
0x5b: {  	_ =	shalt  }
0x5c: {  	_ =	shalt  }
0x5d: {  	_ =	shalt  }
0x5e: {  	_ =	shalt  }
0x5f: {  	_ =	shalt  }
0x60: {  	_ =	shalt  }
0x61: {  	_ =	shalt  }
0x62: {  	_ =	shalt  }
0x63: {  	_ =	shalt  }
0x64: {  	_ =	shalt  }
0x65: {  	_ =	shalt  }
0x66: {  	_ =	shalt  }
0x67: {  	_ =	shalt  }
0x68: {  	_ =	shalt  }
0x69: {  	_ =	shalt  }
0x6a: {  	_ =	shalt  }
0x6b: {  	_ =	shalt  }
0x6c: {  	_ =	shalt  }
0x6d: {  	_ =	shalt  }
0x6e: {  	_ =	shalt  }
0x6f: {  	_ =	shalt  }
0x70: {  	_ =	shalt  }
0x71: {  	_ =	shalt  }
0x72: {  	_ =	shalt  }
0x73: {  	_ =	shalt  }
0x74: {  	_ =	shalt  }
0x75: {  	_ =	shalt  }
0x76: {  	_ =	shalt  }
0x77: {  	_ =	shalt  }
0x78: {  	_ =	shalt  }
0x79: {  	_ =	shalt  }
0x7a: {  	_ =	shalt  }
0x7b: {  	_ =	shalt  }
0x7c: {  	_ =	shalt  }
0x7d: {  	_ =	shalt  }
0x7e: {  	_ =	shalt  }
0x7f: {  	_ =	shalt  }
0x80: {  	_ =	shalt  }
0x81: {  	_ =	shalt  }
0x82: {  	_ =	shalt  }
0x83: {  	_ =	shalt  }
0x84: {  	_ =	shalt  }
0x85: {  	_ =	shalt  }
0x86: {  	_ =	shalt  }
0x87: {  	_ =	shalt  }
.Lfunc_end0:
.L_simem_size_0:
called_computation_lowered:
.L_overlay_start_0:
0x88: {  	s2 =	sld [smem:$0x3FD9]  }
0x89: {  	s3 =	sld [smem:$0x3FFE];
	_ =	sdelay $0x1  }
0x8a: {  	s1 =	srdreg.scid  }
0x8b: {  	s0 =	sand.u32 $0x1, s1  }
0x8c: {  	s14 =	sshll.u32 s0, $0xA;
	s2 =	sadd.s32 s3, s2  }
0x8d: {  	s2 =	sadd.s32 s2, s14  }
0x8e: {  	[smem:$0x3FC6] =	sst s2  }
0x8f: {  	_ = 	snop  }
0x90: {  	s2 =	sld [smem:$0x3FD0];
	_ =	sdelay $0x1  }
0x91: {  	s15 =	sld [smem:$0x3FC9]  }
0x92: {  	s5 =	simm.s32 $0xA;
	s6 =	simm.s32 $0x10;
	s4 =	sld [smem:$0x3FC8]  }
0x93: {  	[smem:s6], [sflag:s5] =	dma.local [hbm:s2], $0x1  }
0x94: {  	_ =	swait.eq [sflag:s5], $0x1  }
0x95: {  	[sflag:s5] =	ssyncset.done $0x0  }
0x96: {  	s16 =	sld [smem:$0x10];
	[sflag:s5] =	ssyncadd.s32 $0xFFFFFFFF  }
0x97: {  	s17 =	sld [smem:$0x11];
	(tm) =	ssettm $0x1  }
0x98: {  	s18 =	sld [smem:$0x3FFB];
	_ =	sdelay $0x3  }
0x99: {  	_ =	strace s18  }
0x9a: {  	s6 =	sld [smem:$0x3FFC];
	_ =	sdelay $0x3  }
0x9b: {  	_ =	strace s6  }
0x9c: {  	s6 =	sld [smem:$0x3FFD];
	_ =	sdelay $0x3  }
0x9d: {  	_ =	strace s6  }
0x9e: {  	_ =	strace $0x8FFFFFFF  }
0x9f: {  	s19 =	sld [smem:$0x3FDB];
	_ =	sdelay $0x1  }
0xa0: {  	s7 =	simm.s32 $_scs_section_size  }
0xa1: {  	s8 =	simm.s32 $_size__tile_overlayer_lowered;
	s9 =	simm.s32 $_tile_overlayer_lowered  }
0xa2: {  	s22 =	simm.s32 $0x1BFF;
	s21 =	sshll.u32 s9, $0x1;
	s6 =	sadd.s32 s7, s19  }
0xa3: {  	s10 =	simm.s32 $0x0;
	s20 =	sshll.u32 s8, $0x1;
	s8 =	sadd.s32 s21, s6  }
0xa4: {  	[timem:s10], [sflag:s22] =	dma.local [hbm:s8], s20  }
0xa5: {  	_ =	swait.ge [sflag:s22], s20  }
0xa6: {  	s7 =	ssub.s32 $0x0, s20;
	[sflag:s22] =	ssyncset.done $0x0  }
0xa7: {  	[sflag:s22] =	ssyncadd.s32 s7;
	_ =	sdelay $0x1  }
0xa8: {  	s23 =	simm.s32 $0x1B8B  }
0xa9: {  	_ =	swait.ge [sflag:s23], $0x1  }
0xaa: {  	[sflag:s23] =	ssyncset.done $0x0  }
0xab: {  	s25 =	simm.s32 $0x1B8E;
	s24 =	sld [smem:$0x3FFE];
	[sflag:s23] =	ssyncadd.s32 $0xFFFFFFFF  }
0xac: {  	s26 =	simm.s32 $execute0_lowered;
	[smem:$0x3FD2] =	sst s25  }
0xad: {  	s8 =	sshll.u32 s26, $0x1;
	_ =	strace $0x80000046;
	[dreg:$0x1] =	wrdreg $0xFFFFFFFF  }
0xae: {  	s28 =	simm.s32 $_size_execute0_lowered;
	s6 =	sadd.s32 s6, s8;
	[dreg:$0x0] =	wrdreg $0x0  }
0xaf: {  	s8 =	sshll.u32 s28, $0x1;
	[dreg:$0x2] =	wrdreg s6  }
0xb0: {  	[dreg:$0x3] =	wrdreg s8  }
0xb1: {  	[dreg:$0x4] =	wrdreg $0xC0  }
0xb2: {  	_ =	task [dreg:s10], $0x5FFFF  }
0xb3: {  	[dreg:$0x1] =	wrdreg $0xFFFFFFFF  }
0xb4: {  	[dreg:$0x0] =	wrdreg $0x60  }
0xb5: {  	[dreg:$0x2] =	wrdreg s15  }
0xb6: {  	[dreg:$0x3] =	wrdreg s4  }
0xb7: {  	[dreg:$0x4] =	wrdreg s24  }
0xb8: {  	[dreg:$0x5] =	wrdreg s16  }
0xb9: {  	[dreg:$0x6] =	wrdreg s17  }
0xba: {  	[dreg:$0x7] =	wrdreg $0x9  }
0xbb: {  	_ =	task.clear_ibuf [dreg:s10], $0x8FFFF;
	_ =	strace $0x90000046  }
0xbc: {  	s29 =	simm.s32 $0x9;
	_ =	strace $0x80000048  }
0xbd: {  	_ =	swait.ge [sflag:s29], $0x1  }
0xbe: {  	[sflag:s29] =	ssyncadd.s32 $0xFFFFFFFF  }
0xbf: {  	_ =	strace $0x90000048  }
0xc0: {  	_ =	sfence  }
0xc1: {  	s30 =	sld [smem:$0x0];
	_ =	sdelay $0x2  }
0xc2: {  	s31 =	sshll.u32 s1, $0xD;
	s1 =	sshrl.u32 s1, $0x2  }
0xc3: {  	s3 =	sand.u32 $0x4000, s31;
	s1 =	sadd.s32 s1, s30  }
0xc4: {  	s0 =	sor.u32 s3, s0;
	s1 =	sshll.u32 s1, $0x11  }
0xc5: {  	s0 =	sor.u32 s1, s0  }
0xc6: {  	s0 =	sadd.s32 $0x8F2B, s0  }
0xc7: {  	[sflag:s0] =	ssyncadd.remote.s32 $0x1  }
0xc8: {  	_ =	sfence.sel $0xFFFF  }
0xc9: {  	[dreg:$0x0] =	wrdreg $0xFFFFFFFF;
	(pc) =	sbr.abs _section_cstart, $3  }
0xca: {  	[dreg:$0x1] =	wrdreg $0xFFFFFFFF  }
0xcb: {  	_ =	task.clear_ibuf [dreg:s10], $0x2FFFF;
	_ =	strace $0x9FFFFFFF  }
0xcc: {  	(tm) =	ssettm $0x7FFFFFFF  }
0xcd: {  	_ =	shalt  }
tec
execute0_lowered:
.L_overlay_start_1:
0x0: {  	(tag) =	ssettag $0x1  }
0x1: {  	s1 =	rddreg [dreg:$0x0]  }
0x2: {  	s2 =	rddreg [dreg:$0x1]  }
0x3: {  	s0 =	rddreg [dreg:$0x2]  }
0x4: {  	s3 =	rddreg [dreg:$0x3];
	s8 =	stileid.u32  }
0x5: {  	s6 =	rddreg [dreg:$0x4];
	s4 =	srdreg.scid;
	s15 =	simm.s32 $0x800  }
0x6: {  	s16 =	simm.s32 $0x400;
	s17 =	simm.s32 $0x1000;
	s18 =	simm.s32 $0x20  }
0x7: {  	s19 =	simm.s32 $0x80;
	s21 =	simm.s32 $0xB000;
	s22 =	simm.s32 $0x13000  }
0x8: {  	s23 =	simm.s32 $0x0;
	s5 =	sshll.u32 s8, $0x1;
	s7 =	sand.u32 $0x1, s4  }
0x9: {  	s4 =	simm.s32 $0x0;
	s10 =	sshrl.u32 s8, $0x1;
	s26 =	sadd.s32 $0xA00, s0  }
0xa: {  	s0 =	sadd.s32 $0x800, s0;
	s5 =	sand.u32 $0x2, s5;
	[smem:$0x7FF] =	sst s4  }
0xb: {  	s24 =	sshll.u32 s10, $0x14;
	s25 =	ssub.s32 $0x2, s7;
	s29 =	sshll.u32 s10, $0x12  }
0xc: {  	s14 =	sshll.u32 s10, $0x11;
	s10 =	sshll.u32 s10, $0xF;
	s9 =	sor.u32 s7, s5  }
0xd: {  	_ =	strace $0x80000047;
	[dreg:$0x6] =	wrdreg s26;
	s12 =	sshrl.u32 s25, $0x1  }
0xe: {  	[dreg:$0x7] =	wrdreg s0;
	s11 =	sshll.u32 s9, $0xA;
	s30 =	sshll.u32 s9, $0x5  }
0xf: {  	s28 =	ssub.s32 s25, s12;
	s5 =	sor.u32 s24, s11;
	s9 =	sor.u32 s29, s30  }
0x10: {  	v0 =	vlaneseq.u32;
	s11 =	sor.u32 s14, s11;
	s14 =	simm.s32 $0x5;
	s13 =	sshrl.u32 s5, $0x3  }
0x11: {  	v1 =	vimm.f32 $0.0e+00;
	v2 =	vor.u32 $0x10, v0;
	s12 =	sshrl.u32 s9, $0x3;
	s8 =	sadd.s32 s1, s13;
	s13 =	sor.u32 s10, s30  }
0x12: {  	v3 =	vor.u32 $0x20, v0;
	v4 =	vor.u32 $0x30, v0;
	v5 =	vor.u32 $0x40, v0;
	s11 =	sshrl.u32 s11, $0x3;
	s10 =	sadd.s32 s2, s12;
	s31 =	sshrl.u32 s13, $0x3  }
0x13: {  	v6 =	vor.u32 $0x50, v0;
	v7 =	vor.u32 $0x60, v0;
	v8 =	vor.u32 $0x70, v0;
	s11 =	sadd.s32 s3, s11;
	s13 =	smax.u32 s28, $0x1;
	s12 =	sadd.s32 s6, s31  }
.LBB2_1:
0x14: {  	s0 =	rddreg [dreg:$0x6]  }
0x15: {  	[tilespmem:s4], [sflag:$0x5] =	stream.linear.gather [hbm4b:s0+s4], $0x800, $0x38;
	[tilespmem:$0x15000] =	vst v63  }
0x16: {  	_ =	swait.ge [sflag:s14], $0x800  }
0x17: {  	[sflag:s14] =	ssyncset.done $0x0  }
0x18: {  	s26 =	rddreg [dreg:$0x7];
	[sflag:s14] =	ssyncadd.s32 $0xFFFFF800  }
0x19: {  	[tilespmem:s15], [sflag:$0x5] =	stream.linear.gather [hbm4b:s26+s4], $0x800, $0x38;
	[tilespmem:$0x15000] =	vst v63  }
0x1a: {  	_ =	swait.ge [sflag:s14], $0x800  }
0x1b: {  	[sflag:s14] =	ssyncset.done $0x0  }
0x1c: {  	s28 =	simm.s32 $0xB040;
	[sflag:s14] =	ssyncadd.s32 $0xFFFFF800  }
0x1d: {  	[tilespmem:s28+$0xFFFFFFC0] =	vst v1  }
0x1e: {  	[tilespmem:s28+$0xFFFFFFD0] =	vst v1  }
0x1f: {  	[tilespmem:s28+$0xFFFFFFE0] =	vst v1  }
0x20: {  	[tilespmem:s28+$0xFFFFFFF0] =	vst v1  }
0x21: {  	s3 =	simm.s32 $0x0;
	[tilespmem:s28+$0x0] =	vst v1  }
0x22: {  	s6 =	simm.s32 $0x180;
	s3 =	sand.u32 $0x7C00, s3;
	[tilespmem:s28+$0x10] =	vst v1  }
0x23: {  	s6 =	sand.u32 $0x380, s6;
	s3 =	sadd.s32 $0xB000, s3;
	[tilespmem:s28+$0x20] =	vst v1  }
0x24: {  	s29 =	sor.u32 s6, s3;
	[tilespmem:s28+$0x30] =	vst v1  }
0x25: {  	[tilespmem:s29+$0x0] =	vst v1  }
0x26: {  	[tilespmem:s29+$0x10] =	vst v1  }
0x27: {  	[tilespmem:s29+$0x20] =	vst v1  }
0x28: {  	[tilespmem:s29+$0x30] =	vst v1  }
0x29: {  	[tilespmem:s29+$0x40] =	vst v1  }
0x2a: {  	s30 =	simm.s32 $0x80;
	[tilespmem:s29+$0x50] =	vst v1  }
0x2b: {  	s6 =	sand.u32 $0x280, s30;
	[tilespmem:s29+$0x60] =	vst v1  }
0x2c: {  	s6 =	sor.u32 s6, s3;
	[tilespmem:s29+$0x70] =	vst v1  }
0x2d: {  	[tilespmem:s6+$0x0] =	vst v1  }
0x2e: {  	[tilespmem:s6+$0x10] =	vst v1  }
0x2f: {  	[tilespmem:s6+$0x20] =	vst v1  }
0x30: {  	[tilespmem:s6+$0x30] =	vst v1  }
0x31: {  	[tilespmem:s6+$0x40] =	vst v1  }
0x32: {  	s0 =	simm.s32 $0x100;
	[tilespmem:s6+$0x50] =	vst v1  }
0x33: {  	s31 =	sand.u32 $0x300, s0;
	[tilespmem:s6+$0x60] =	vst v1  }
0x34: {  	s3 =	sor.u32 s31, s3;
	[tilespmem:s6+$0x70] =	vst v1  }
0x35: {  	[tilespmem:s3+$0x0] =	vst v1  }
0x36: {  	[tilespmem:s3+$0x10] =	vst v1  }
0x37: {  	[tilespmem:s3+$0x20] =	vst v1  }
0x38: {  	[tilespmem:s3+$0x30] =	vst v1  }
0x39: {  	[tilespmem:s3+$0x40] =	vst v1  }
0x3a: {  	[tilespmem:s3+$0x50] =	vst v1  }
0x3b: {  	[tilespmem:s3+$0x60] =	vst v1  }
0x3c: {  	s20 =	simm.s32 $0x40;
	[tilespmem:s3+$0x70] =	vst v1  }
0x3d: {  	[tilespmem:s20+$0x13030] =	vst v1  }
0x3e: {  	[tilespmem:s20+$0x12FE0] =	vst v1  }
0x3f: {  	[tilespmem:s20+$0x12FF0] =	vst v1  }
0x40: {  	[tilespmem:s20+$0x13000] =	vst v1  }
0x41: {  	[tilespmem:s20+$0x13010] =	vst v1  }
0x42: {  	[tilespmem:s20+$0x13020] =	vst v1  }
0x43: {  	[tilespmem:s20+$0x12FC0] =	vst v1  }
0x44: {  	s3 =	simm.s32 $0x0;
	s6 =	simm.s32 $0xB240;
	[tilespmem:s20+$0x12FD0] =	vst v1  }
.LBB2_2:
0x45: {  	[tilespmem:s6+$0xFFFFFFC0] =	vst v1  }
0x46: {  	[tilespmem:s6+$0xFFFFFFD0] =	vst v1  }
0x47: {  	[tilespmem:s6+$0xFFFFFFE0] =	vst v1  }
0x48: {  	s0 =	sadd.s32 $0x200, s0;
	[tilespmem:s6+$0xFFFFFFF0] =	vst v1  }
0x49: {  	s20 =	sadd.s32 $0xFFFFFF00, s0;
	s24 =	sadd.s32 $0xFFFFFF80, s0;
	s25 =	sand.u32 $0x300, s0;
	[tilespmem:s6+$0x0] =	vst v1  }
0x4a: {  	s26 =	sadd.s32 $0x80, s0;
	s20 =	sand.u32 $0x7C00, s20;
	s24 =	sand.u32 $0x280, s24;
	[tilespmem:s6+$0x10] =	vst v1  }
0x4b: {  	s26 =	sand.u32 $0x380, s26;
	s20 =	sadd.s32 $0xB000, s20;
	[tilespmem:s6+$0x20] =	vst v1  }
0x4c: {  	s24 =	sor.u32 s24, s20;
	s25 =	sor.u32 s25, s20;
	s20 =	sor.u32 s26, s20;
	[tilespmem:s6+$0x30] =	vst v1  }
0x4d: {  	[tilespmem:s20+$0x0] =	vst v1  }
0x4e: {  	[tilespmem:s20+$0x10] =	vst v1  }
0x4f: {  	[tilespmem:s20+$0x20] =	vst v1  }
0x50: {  	[tilespmem:s20+$0x30] =	vst v1  }
0x51: {  	s3 =	sadd.s32 $0x4, s3;
	[tilespmem:s20+$0x40] =	vst v1  }
0x52: {  	p0 =	slt.u32 s3, $0xFC;
	[tilespmem:s20+$0x50] =	vst v1  }
0x53: {  	[tilespmem:s20+$0x60] =	vst v1  }
0x54: {  	s26 =	sshra.s32 s0, $0x2;
	[tilespmem:s20+$0x70] =	vst v1  }
0x55: {  	[tilespmem:s26+$0x13030] =	vst v1  }
0x56: {  	[tilespmem:s24+$0x0] =	vst v1  }
0x57: {  	[tilespmem:s24+$0x10] =	vst v1  }
0x58: {  	[tilespmem:s24+$0x20] =	vst v1  }
0x59: {  	[tilespmem:s24+$0x30] =	vst v1  }
0x5a: {  	[tilespmem:s24+$0x40] =	vst v1  }
0x5b: {  	[tilespmem:s24+$0x50] =	vst v1  }
0x5c: {  	[tilespmem:s24+$0x60] =	vst v1  }
0x5d: {  	[tilespmem:s24+$0x70] =	vst v1  }
0x5e: {  	[tilespmem:s26+$0x12FE0] =	vst v1  }
0x5f: {  	[tilespmem:s26+$0x12FF0] =	vst v1  }
0x60: {  	[tilespmem:s25+$0x0] =	vst v1  }
0x61: {  	[tilespmem:s25+$0x10] =	vst v1  }
0x62: {  	[tilespmem:s25+$0x20] =	vst v1  }
0x63: {  	[tilespmem:s25+$0x30] =	vst v1  }
0x64: {  	[tilespmem:s25+$0x40] =	vst v1  }
0x65: {  	[tilespmem:s25+$0x50] =	vst v1  }
0x66: {  	[tilespmem:s25+$0x60] =	vst v1  }
0x67: {  	[tilespmem:s25+$0x70] =	vst v1  }
.Ltmp0:
0x68: {  	[tilespmem:s26+$0x13000] =	vst v1;
	(pc) =	sbr.rel @p0 .LBB2_2-.Ltmp0, $4  }
0x69: {  	[tilespmem:s26+$0x13010] =	vst v1  }
0x6a: {  	[tilespmem:s26+$0x13020] =	vst v1  }
0x6b: {  	[tilespmem:s26+$0x12FC0] =	vst v1  }
0x6c: {  	s6 =	sadd.s32 $0x200, s6;
	[tilespmem:s26+$0x12FD0] =	vst v1  }
0x6d: {  	[tilespmem:s17], [sflag:$0x1] =	stream.strided.gather [hbm4b:s8+s16], $0x4000, s17, s16, $0x38;
	[tilespmem:$0x15000] =	vst v63  }
0x6e: {  	s0 =	simm.s32 $0x9000;
	s24 =	simm.s32 $0x0  }
0x6f: {  	p0 =	por $0x0, $0x0;
	s25 =	simm.s32 $0x0;
	s26 =	simm.s32 $0x0  }
0x70: {  	[tilespmem:s0], [sflag:$0x3] =	stream.strided.gather [hbm4b:s10+s18], $0x1000, s19, s18, $0x38;
	[tilespmem:$0x15000] =	vst v63  }
.LBB2_5:
0x71: {  	s0 =	smov.u32 s26  }
0x72: {  	s26 =	sadd.s32 $0x1, s26;
	p1 =	seq.s32 s0, $0xF  }
0x73: {  	s6 =	sshll.u32 @!p1 s26, $0x10  }
0x74: {  	s3 =	sand.u32 @!p1 $0x1, s26;
	s29 =	simm.s32 @!p1 $0x400;
	s6 =	sadd.s32 @!p1 s5, s6  }
0x75: {  	s30 =	simm.s32 @!p1 $0x1000;
	s20 =	sshll.u32 @!p1 s3, $0xE;
	s6 =	sshrl.u32 @!p1 s6, $0x3  }
0x76: {  	s28 =	sadd.s32 @!p1 $0x1, s3;
	s20 =	sor.u32 @!p1 $0x1000, s20;
	s6 =	sadd.s32 @!p1 s1, s6  }
0x77: {  	[tilespmem:s20], [sflag:s28] =	stream.strided.gather @!p1 [hbm4b:s6+s29], $0x4000, s30, s29, $0x38;
	[tilespmem:$0x15000] =	vst v63  }
0x78: {  	s6 =	sshll.u32 @!p1 s26, $0xE  }
0x79: {  	s20 =	sshll.u32 @!p1 s3, $0xC;
	s6 =	sadd.s32 @!p1 s9, s6  }
0x7a: {  	s3 =	sadd.s32 @!p1 $0x3, s3;
	s28 =	simm.s32 @!p1 $0x20;
	s6 =	sshrl.u32 @!p1 s6, $0x3  }
0x7b: {  	s29 =	simm.s32 @!p1 $0x80;
	s20 =	sadd.s32 @!p1 $0x9000, s20;
	s6 =	sadd.s32 @!p1 s2, s6  }
0x7c: {  	[tilespmem:s20], [sflag:s3] =	stream.strided.gather @!p1 [hbm4b:s6+s28], $0x1000, s29, s28, $0x38;
	[tilespmem:$0x15000] =	vst v63  }
0x7d: {  	s0 =	sand.u32 $0x1, s0;
	s3 =	sadd.s32 $0xFFFFFFFC, s25  }
0x7e: {  	s7 =	sadd.s32 $0x1, s0;
	s20 =	sadd.s32 $0x6, s3  }
0x7f: {  	s31 =	sadd.s32 $0x4, s3;
	_ =	swait.ge [sflag:s7], $0x4000;
	v9 =	vmov s20  }
0x80: {  	s28 =	sadd.s32 $0x5, s3;
	v10 =	vmov s31;
	[sflag:s7] =	ssyncset.done $0x0;
	v9 =	vand.u32 $0xFFFFFFFE, v9  }
0x81: {  	v11 =	vmov s28;
	s31 =	sadd.s32 $0x3, s0;
	v10 =	vand.u32 $0xFFFFFFFC, v10;
	[sflag:s7] =	ssyncadd.s32 $0xFFFFC000;
	v9 =	vbroadcast v9, $0x0  }
0x82: {  	s6 =	sand.u32 $0x3C00, s24;
	s0 =	sshll.u32 s0, $0xE;
	v11 =	vand.u32 $0xFFFFFFFD, v11;
	v12 =	vbroadcast v10, $0x0;
	_ =	swait.ge [sflag:s31], $0x1000  }
0x83: {  	s28 =	sor.u32 $0x1000, s0;
	s7 =	simm.s32 $0x100;
	v14 =	vbroadcast v11, $0x0;
	[sflag:s31] =	ssyncset.done $0x0  }
0x84: {  	s29 =	sadd.s32 s6, s28;
	[sflag:s31] =	ssyncadd.s32 $0xFFFFF000;
	s31 =	sand.u32 $0x200, s24  }
0x85: {  	s20 =	sand.u32 $0x300, s7;
	s7 =	sadd.s32 $0x7, s3;
	s3 =	sadd.s32 s31, s29  }
0x86: {  	v16 =	vld [tilespmem:s3+$0x0]  }
0x87: {  	v17 =	vld.idx.msk [tilespmem:v9+s4+$0x0], $0xffff  }
0x88: {  	v15 =	vld.idx.msk [tilespmem:v12+s4+$0x0], $0xffff  }
0x89: {  	v11 =	vld.idx.msk [tilespmem:v14+s4+$0x0], $0xffff  }
0x8a: {  	s20 =	sadd.s32 s20, s29;
	v10 =	vld.idx.msk [tilespmem:v9+s15+$0x0], $0xffff  }
0x8b: {  	v9 =	vld [tilespmem:s20+$0x0]  }
0x8c: {  	s30 =	simm.s32 $0x80;
	v13 =	vld.idx.msk [tilespmem:v12+s15+$0x0], $0xffff;
	v19 =	vshll.u32 v17, $0x7  }
0x8d: {  	s31 =	sand.u32 $0x280, s30;
	v22 =	vshll.u32 v15, $0x7;
	v20 =	vor.u32 v0, v19  }
0x8e: {  	s0 =	sadd.s32 s31, s29;
	v23 =	vor.u32 v0, v22  }
0x8f: {  	v21 =	vld [tilespmem:s0+$0x0]  }
0x90: {  	v14 =	vld.idx.msk [tilespmem:v14+s15+$0x0], $0xffff;
	v9 =	vmul.f32 v9, v10  }
0x91: {  	v18 =	vmov s7;
	v24 =	vshll.u32 v11, $0x7;
	v16 =	vmul.f32 v16, v13  }
0x92: {  	v25 =	vor.u32 v0, v24;
	[tilespmem:v20+s21+$0x0] =	vst.idx.add.f32.msk $0xffff, v9  }
0x93: {  	[tilespmem:v23+s21+$0x0] =	vst.idx.add.f32.msk $0xffff, v16  }
0x94: {  	v9 =	vld [tilespmem:s20+$0x10]  }
0x95: {  	s7 =	simm.s32 $0x180;
	v20 =	vmul.f32 v21, v14;
	v21 =	vld [tilespmem:s3+$0x10]  }
0x96: {  	s6 =	sand.u32 $0x380, s7;
	v12 =	vld.idx.msk [tilespmem:v18+s4+$0x0], $0xffff;
	v23 =	vor.u32 v2, v19  }
0x97: {  	s6 =	sadd.s32 s6, s29;
	[tilespmem:v25+s21+$0x0] =	vst.idx.add.f32.msk $0xffff, v20;
	v25 =	vor.u32 v2, v22  }
0x98: {  	v26 =	vld [tilespmem:s6+$0x0]  }
0x99: {  	v20 =	vld [tilespmem:s0+$0x10];
	v9 =	vmul.f32 v9, v10  }
0x9a: {  	v16 =	vld.idx.msk [tilespmem:v18+s15+$0x0], $0xffff;
	v21 =	vmul.f32 v21, v13  }
0x9b: {  	v18 =	vor.u32 v2, v24;
	[tilespmem:v23+s21+$0x0] =	vst.idx.add.f32.msk $0xffff, v9  }
0x9c: {  	v27 =	vshll.u32 v12, $0x7;
	[tilespmem:v25+s21+$0x0] =	vst.idx.add.f32.msk $0xffff, v21  }
0x9d: {  	v23 =	vor.u32 v0, v27;
	v9 =	vld [tilespmem:s20+$0x20]  }
0x9e: {  	v20 =	vmul.f32 v20, v14;
	v21 =	vld [tilespmem:s3+$0x20]  }
0x9f: {  	v25 =	vor.u32 v3, v19  }
0xa0: {  	[tilespmem:v18+s21+$0x0] =	vst.idx.add.f32.msk $0xffff, v20;
	v18 =	vmul.f32 v26, v16;
	v20 =	vor.u32 v3, v22  }
0xa1: {  	v26 =	vld [tilespmem:s0+$0x20]  }
0xa2: {  	[tilespmem:v23+s21+$0x0] =	vst.idx.add.f32.msk $0xffff, v18;
	v9 =	vmul.f32 v9, v10  }
0xa3: {  	v23 =	vld [tilespmem:s6+$0x10];
	v21 =	vmul.f32 v21, v13  }
0xa4: {  	v18 =	vor.u32 v3, v24;
	[tilespmem:v25+s21+$0x0] =	vst.idx.add.f32.msk $0xffff, v9  }
0xa5: {  	[tilespmem:v20+s21+$0x0] =	vst.idx.add.f32.msk $0xffff, v21  }
0xa6: {  	v25 =	vor.u32 v2, v27;
	v9 =	vld [tilespmem:s20+$0x30]  }
0xa7: {  	v20 =	vmul.f32 v26, v14;
	v21 =	vld [tilespmem:s3+$0x30]  }
0xa8: {  	v26 =	vor.u32 v4, v19  }
0xa9: {  	[tilespmem:v18+s21+$0x0] =	vst.idx.add.f32.msk $0xffff, v20;
	v20 =	vor.u32 v4, v22;
	v18 =	vmul.f32 v23, v16  }
0xaa: {  	v23 =	vld [tilespmem:s0+$0x30]  }
0xab: {  	[tilespmem:v25+s21+$0x0] =	vst.idx.add.f32.msk $0xffff, v18;
	v9 =	vmul.f32 v9, v10  }
0xac: {  	v25 =	vld [tilespmem:s6+$0x20];
	v21 =	vmul.f32 v21, v13  }
0xad: {  	v18 =	vor.u32 v4, v24;
	[tilespmem:v26+s21+$0x0] =	vst.idx.add.f32.msk $0xffff, v9  }
0xae: {  	[tilespmem:v20+s21+$0x0] =	vst.idx.add.f32.msk $0xffff, v21  }
0xaf: {  	v26 =	vor.u32 v3, v27;
	v9 =	vld [tilespmem:s20+$0x40]  }
0xb0: {  	v20 =	vmul.f32 v23, v14;
	v21 =	vld [tilespmem:s3+$0x40]  }
0xb1: {  	v23 =	vor.u32 v5, v19  }
0xb2: {  	[tilespmem:v18+s21+$0x0] =	vst.idx.add.f32.msk $0xffff, v20;
	v20 =	vor.u32 v5, v22;
	v18 =	vmul.f32 v25, v16  }
0xb3: {  	v25 =	vld [tilespmem:s0+$0x40]  }
0xb4: {  	[tilespmem:v26+s21+$0x0] =	vst.idx.add.f32.msk $0xffff, v18;
	v9 =	vmul.f32 v9, v10  }
0xb5: {  	v26 =	vld [tilespmem:s6+$0x30];
	v21 =	vmul.f32 v21, v13  }
0xb6: {  	v18 =	vor.u32 v5, v24;
	[tilespmem:v23+s21+$0x0] =	vst.idx.add.f32.msk $0xffff, v9  }
0xb7: {  	[tilespmem:v20+s21+$0x0] =	vst.idx.add.f32.msk $0xffff, v21  }
0xb8: {  	v23 =	vor.u32 v4, v27;
	v9 =	vld [tilespmem:s20+$0x50]  }
0xb9: {  	v20 =	vmul.f32 v25, v14;
	v21 =	vld [tilespmem:s3+$0x50]  }
0xba: {  	v25 =	vor.u32 v6, v19  }
0xbb: {  	[tilespmem:v18+s21+$0x0] =	vst.idx.add.f32.msk $0xffff, v20;
	v20 =	vor.u32 v6, v22;
	v18 =	vmul.f32 v26, v16  }
0xbc: {  	v26 =	vld [tilespmem:s0+$0x50]  }
0xbd: {  	[tilespmem:v23+s21+$0x0] =	vst.idx.add.f32.msk $0xffff, v18;
	v9 =	vmul.f32 v9, v10  }
0xbe: {  	v23 =	vld [tilespmem:s6+$0x40];
	v21 =	vmul.f32 v21, v13  }
0xbf: {  	v18 =	vor.u32 v6, v24;
	[tilespmem:v25+s21+$0x0] =	vst.idx.add.f32.msk $0xffff, v9  }
0xc0: {  	[tilespmem:v20+s21+$0x0] =	vst.idx.add.f32.msk $0xffff, v21  }
0xc1: {  	v25 =	vor.u32 v5, v27;
	v9 =	vld [tilespmem:s20+$0x60]  }
0xc2: {  	v20 =	vmul.f32 v26, v14;
	v21 =	vld [tilespmem:s3+$0x60]  }
0xc3: {  	v26 =	vor.u32 v7, v19  }
0xc4: {  	[tilespmem:v18+s21+$0x0] =	vst.idx.add.f32.msk $0xffff, v20;
	v20 =	vor.u32 v7, v22;
	v18 =	vmul.f32 v23, v16  }
0xc5: {  	v23 =	vld [tilespmem:s0+$0x60]  }
0xc6: {  	[tilespmem:v25+s21+$0x0] =	vst.idx.add.f32.msk $0xffff, v18;
	v9 =	vmul.f32 v9, v10  }
0xc7: {  	v25 =	vld [tilespmem:s6+$0x50];
	v21 =	vmul.f32 v21, v13  }
0xc8: {  	v18 =	vor.u32 v7, v24;
	[tilespmem:v26+s21+$0x0] =	vst.idx.add.f32.msk $0xffff, v9  }
0xc9: {  	[tilespmem:v20+s21+$0x0] =	vst.idx.add.f32.msk $0xffff, v21  }
0xca: {  	s29 =	simm.s32 $0x1;
	v28 =	vor.u32 v6, v27;
	v26 =	vld [tilespmem:s20+$0x70]  }
0xcb: {  	s29 =	simm.s32 @!p0 $0x0;
	v20 =	vmul.f32 v23, v14;
	v21 =	vld [tilespmem:s3+$0x70]  }
0xcc: {  	s31 =	sshll.u32 s29, $0xC;
	v19 =	vor.u32 v8, v19  }
0xcd: {  	s20 =	sadd.s32 $0x9040, s31;
	[tilespmem:v18+s21+$0x0] =	vst.idx.add.f32.msk $0xffff, v20;
	v20 =	vor.u32 v8, v22;
	v18 =	vmul.f32 v25, v16  }
0xce: {  	v9 =	vmov s20;
	v22 =	vld [tilespmem:s0+$0x70]  }
0xcf: {  	[tilespmem:v28+s21+$0x0] =	vst.idx.add.f32.msk $0xffff, v18;
	v23 =	vmul.f32 v26, v10  }
0xd0: {  	v18 =	vor.u32 v8, v24;
	v24 =	vld [tilespmem:s6+$0x60];
	v21 =	vmul.f32 v21, v13  }
0xd1: {  	[tilespmem:v19+s21+$0x0] =	vst.idx.add.f32.msk $0xffff, v23  }
0xd2: {  	s29 =	simm.s32 $0x0;
	[tilespmem:v20+s21+$0x0] =	vst.idx.add.f32.msk $0xffff, v21  }
0xd3: {  	v23 =	vor.u32 v7, v27;
	v19 =	vld.idx.msk [tilespmem:v9+s29+$0x0 ss:$0x1], $0xffff  }
0xd4: {  	v17 =	vshll.u32 v17, $0x5;
	v20 =	vmul.f32 v22, v14;
	v21 =	vld.idx.msk [tilespmem:v9+s29+$0xFFFFFFC0 ss:$0x1], $0xffff  }
0xd5: {  	v15 =	vshll.u32 v15, $0x5;
	v22 =	vor.u32 v0, v17  }
0xd6: {  	[tilespmem:v18+s21+$0x0] =	vst.idx.add.f32.msk $0xffff, v20;
	v18 =	vmul.f32 v24, v16;
	v24 =	vor.u32 v0, v15  }
0xd7: {  	v20 =	vld.idx.msk [tilespmem:v9+s29+$0xFFFFFFE0 ss:$0x1], $0xffff  }
0xd8: {  	v11 =	vshll.u32 v11, $0x5;
	[tilespmem:v23+s21+$0x0] =	vst.idx.add.f32.msk $0xffff, v18;
	v18 =	vmul.f32 v19, v10  }
0xd9: {  	v19 =	vor.u32 v0, v11;
	v23 =	vld [tilespmem:s6+$0x70];
	s6 =	sadd.s32 $0x0, s25;
	v21 =	vmul.f32 v21, v13  }
0xda: {  	s3 =	sadd.s32 $0x4, s6;
	[tilespmem:v22+s22+$0x0] =	vst.idx.add.f32.msk $0xffff, v18  }
0xdb: {  	s7 =	sadd.s32 $0x5, s6;
	v18 =	vor.u32 v8, v27;
	v22 =	vmov s3;
	[tilespmem:v24+s22+$0x0] =	vst.idx.add.f32.msk $0xffff, v21  }
0xdc: {  	s20 =	sadd.s32 $0x6, s6;
	v26 =	vmov s7;
	v20 =	vmul.f32 v20, v14;
	s3 =	simm.s32 $0x200;
	v25 =	vld.idx.msk [tilespmem:v9+s29+$0x10 ss:$0x1], $0xffff;
	v22 =	vand.u32 $0xFFFFFFFC, v22  }
0xdd: {  	v21 =	vmov s20;
	s7 =	simm.s32 $0x280;
	v24 =	vand.u32 $0xFFFFFFFD, v26;
	v26 =	vld.idx.msk [tilespmem:v9+s29+$0xFFFFFFD0 ss:$0x1], $0xffff;
	s31 =	sand.u32 $0x3C00, s3;
	v22 =	vbroadcast v22, $0x0  }
0xde: {  	v21 =	vand.u32 $0xFFFFFFFE, v21;
	v24 =	vbroadcast v24, $0x0;
	s30 =	sadd.s32 s31, s28;
	s31 =	sand.u32 $0x280, s7;
	[tilespmem:v19+s22+$0x0] =	vst.idx.add.f32.msk $0xffff, v20  }
0xdf: {  	s3 =	sand.u32 $0x200, s3;
	v20 =	vbroadcast v21, $0x0;
	s0 =	sadd.s32 s31, s30;
	v21 =	vld.idx.msk [tilespmem:v9+s29+$0xFFFFFFF0 ss:$0x1], $0xffff  }
0xe0: {  	v27 =	vor.u32 v2, v17;
	v19 =	vmul.f32 v23, v16;
	s3 =	sadd.s32 s3, s30;
	v23 =	vld [tilespmem:s0+$0x0]  }
0xe1: {  	v28 =	vld [tilespmem:s3+$0x0]  }
0xe2: {  	[tilespmem:v18+s21+$0x0] =	vst.idx.add.f32.msk $0xffff, v19  }
0xe3: {  	v10 =	vmul.f32 v25, v10;
	v18 =	vld.idx.msk [tilespmem:v22+s4+$0x0], $0xffff  }
0xe4: {  	v15 =	vor.u32 v2, v15;
	v17 =	vld.idx.msk [tilespmem:v24+s4+$0x0], $0xffff  }
0xe5: {  	[tilespmem:v27+s22+$0x0] =	vst.idx.add.f32.msk $0xffff, v10  }
0xe6: {  	v10 =	vld.idx.msk [tilespmem:v22+s15+$0x0], $0xffff  }
0xe7: {  	v25 =	vmul.f32 v26, v13;
	v22 =	vor.u32 v2, v11;
	v11 =	vld.idx.msk [tilespmem:v24+s15+$0x0], $0xffff  }
0xe8: {  	s6 =	sadd.s32 $0x7, s6;
	v19 =	vld.idx.msk [tilespmem:v20+s4+$0x0], $0xffff  }
0xe9: {  	s7 =	simm.s32 $0x300;
	v24 =	vmov s6;
	[tilespmem:v15+s22+$0x0] =	vst.idx.add.f32.msk $0xffff, v25;
	v26 =	vshll.u32 v18, $0x7  }
0xea: {  	s20 =	sand.u32 $0x300, s7;
	v13 =	vld.idx.msk [tilespmem:v20+s15+$0x0], $0xffff;
	v27 =	vshll.u32 v17, $0x7;
	v20 =	vor.u32 v0, v26  }
0xeb: {  	s20 =	sadd.s32 s20, s30;
	v25 =	vld.idx.msk [tilespmem:v9+s29+$0x20 ss:$0x1], $0xffff;
	v14 =	vmul.f32 v21, v14;
	v29 =	vor.u32 v0, v27  }
0xec: {  	v21 =	vld [tilespmem:s20+$0x0]  }
0xed: {  	[tilespmem:v22+s22+$0x0] =	vst.idx.add.f32.msk $0xffff, v14;
	v22 =	vmul.f32 v28, v10;
	v30 =	vshll.u32 v19, $0x7  }
0xee: {  	v14 =	vld.idx.msk [tilespmem:v24+s4+$0x0], $0xffff;
	v23 =	vmul.f32 v23, v11;
	v15 =	vor.u32 v0, v30  }
0xef: {  	[tilespmem:v20+s21+$0x0] =	vst.idx.add.f32.msk $0xffff, v22  }
0xf0: {  	[tilespmem:v29+s21+$0x0] =	vst.idx.add.f32.msk $0xffff, v23  }
0xf1: {  	v20 =	vmul.f32 v21, v13;
	v21 =	vshll.u32 v12, $0x5;
	v12 =	vld.idx.msk [tilespmem:v24+s15+$0x0], $0xffff  }
0xf2: {  	v22 =	vld [tilespmem:s3+$0x10]  }
0xf3: {  	[tilespmem:v15+s21+$0x0] =	vst.idx.add.f32.msk $0xffff, v20;
	v15 =	vor.u32 v0, v21  }
0xf4: {  	s31 =	simm.s32 $0x380;
	v24 =	vor.u32 v2, v26;
	v20 =	vld [tilespmem:s20+$0x10]  }
0xf5: {  	s6 =	sand.u32 $0x380, s31;
	v23 =	vld [tilespmem:s0+$0x10]  }
0xf6: {  	s6 =	sadd.s32 s6, s30;
	v25 =	vmul.f32 v25, v16;
	v28 =	vor.u32 v2, v30  }
0xf7: {  	v31 =	vld [tilespmem:s6+$0x0];
	v29 =	vor.u32 v2, v27;
	v22 =	vmul.f32 v22, v10  }
0xf8: {  	[tilespmem:v15+s22+$0x0] =	vst.idx.add.f32.msk $0xffff, v25  }
0xf9: {  	v20 =	vmul.f32 v20, v13;
	[tilespmem:v24+s21+$0x0] =	vst.idx.add.f32.msk $0xffff, v22  }
0xfa: {  	v23 =	vmul.f32 v23, v11;
	v15 =	vshll.u32 v14, $0x7;
	v22 =	vld [tilespmem:s3+$0x20]  }
0xfb: {  	[tilespmem:v28+s21+$0x0] =	vst.idx.add.f32.msk $0xffff, v20;
	v28 =	vor.u32 v0, v15  }
0xfc: {  	[tilespmem:v29+s21+$0x0] =	vst.idx.add.f32.msk $0xffff, v23  }
0xfd: {  	v29 =	vor.u32 v3, v26;
	v20 =	vld [tilespmem:s20+$0x20]  }
0xfe: {  	v23 =	vmul.f32 v31, v12  }
0xff: {  	v24 =	vor.u32 v3, v30;
	v58 =	vld [tilespmem:s0+$0x20]  }
0x100: {  	v22 =	vmul.f32 v22, v10;
	[tilespmem:v28+s21+$0x0] =	vst.idx.add.f32.msk $0xffff, v23  }
0x101: {  	v23 =	vor.u32 v3, v27;
	v28 =	vld [tilespmem:s6+$0x10]  }
0x102: {  	v20 =	vmul.f32 v20, v13;
	[tilespmem:v29+s21+$0x0] =	vst.idx.add.f32.msk $0xffff, v22  }
0x103: {  	v29 =	vld [tilespmem:s3+$0x30]  }
0x104: {  	v22 =	vmul.f32 v58, v11;
	[tilespmem:v24+s21+$0x0] =	vst.idx.add.f32.msk $0xffff, v20;
	v24 =	vor.u32 v2, v15  }
0x105: {  	v20 =	vld [tilespmem:s20+$0x30]  }
0x106: {  	[tilespmem:v23+s21+$0x0] =	vst.idx.add.f32.msk $0xffff, v22;
	v23 =	vor.u32 v4, v26  }
0x107: {  	v59 =	vor.u32 v4, v30;
	v22 =	vmul.f32 v28, v12  }
0x108: {  	v28 =	vld [tilespmem:s0+$0x30]  }
0x109: {  	v29 =	vmul.f32 v29, v10;
	[tilespmem:v24+s21+$0x0] =	vst.idx.add.f32.msk $0xffff, v22  }
0x10a: {  	v22 =	vor.u32 v4, v27;
	v20 =	vmul.f32 v20, v13;
	v24 =	vld [tilespmem:s6+$0x20]  }
0x10b: {  	[tilespmem:v23+s21+$0x0] =	vst.idx.add.f32.msk $0xffff, v29  }
0x10c: {  	[tilespmem:v59+s21+$0x0] =	vst.idx.add.f32.msk $0xffff, v20  }
0x10d: {  	v60 =	vor.u32 v3, v15;
	v23 =	vmul.f32 v28, v11;
	v28 =	vld [tilespmem:s3+$0x40]  }
0x10e: {  	v20 =	vld [tilespmem:s20+$0x40]  }
0x10f: {  	[tilespmem:v22+s21+$0x0] =	vst.idx.add.f32.msk $0xffff, v23;
	v23 =	vor.u32 v5, v26  }
0x110: {  	v29 =	vor.u32 v5, v30;
	v22 =	vmul.f32 v24, v12  }
0x111: {  	v24 =	vld [tilespmem:s0+$0x40]  }
0x112: {  	[tilespmem:v60+s21+$0x0] =	vst.idx.add.f32.msk $0xffff, v22;
	v28 =	vmul.f32 v28, v10  }
0x113: {  	v22 =	vor.u32 v5, v27;
	v20 =	vmul.f32 v20, v13;
	v31 =	vld [tilespmem:s6+$0x30]  }
0x114: {  	[tilespmem:v23+s21+$0x0] =	vst.idx.add.f32.msk $0xffff, v28  }
0x115: {  	[tilespmem:v29+s21+$0x0] =	vst.idx.add.f32.msk $0xffff, v20  }
0x116: {  	v29 =	vor.u32 v4, v15;
	v23 =	vmul.f32 v24, v11;
	v24 =	vld [tilespmem:s3+$0x50]  }
0x117: {  	v20 =	vld [tilespmem:s20+$0x50]  }
0x118: {  	[tilespmem:v22+s21+$0x0] =	vst.idx.add.f32.msk $0xffff, v23;
	v23 =	vor.u32 v6, v26  }
0x119: {  	v28 =	vor.u32 v6, v30;
	v22 =	vmul.f32 v31, v12  }
0x11a: {  	v61 =	vld [tilespmem:s0+$0x50]  }
0x11b: {  	[tilespmem:v29+s21+$0x0] =	vst.idx.add.f32.msk $0xffff, v22;
	v24 =	vmul.f32 v24, v10  }
0x11c: {  	v22 =	vor.u32 v6, v27;
	v20 =	vmul.f32 v20, v13;
	v29 =	vld [tilespmem:s6+$0x40]  }
0x11d: {  	[tilespmem:v23+s21+$0x0] =	vst.idx.add.f32.msk $0xffff, v24  }
0x11e: {  	[tilespmem:v28+s21+$0x0] =	vst.idx.add.f32.msk $0xffff, v20  }
0x11f: {  	v28 =	vor.u32 v5, v15;
	v23 =	vmul.f32 v61, v11;
	v24 =	vld [tilespmem:s3+$0x60]  }
0x120: {  	v20 =	vld [tilespmem:s20+$0x60]  }
0x121: {  	[tilespmem:v22+s21+$0x0] =	vst.idx.add.f32.msk $0xffff, v23;
	v23 =	vor.u32 v7, v26  }
0x122: {  	v62 =	vor.u32 v7, v30;
	v22 =	vmul.f32 v29, v12  }
0x123: {  	v29 =	vld [tilespmem:s0+$0x60]  }
0x124: {  	[tilespmem:v28+s21+$0x0] =	vst.idx.add.f32.msk $0xffff, v22;
	v24 =	vmul.f32 v24, v10  }
0x125: {  	v22 =	vor.u32 v7, v27;
	v20 =	vmul.f32 v20, v13;
	v28 =	vld [tilespmem:s6+$0x50]  }
0x126: {  	[tilespmem:v23+s21+$0x0] =	vst.idx.add.f32.msk $0xffff, v24  }
0x127: {  	[tilespmem:v62+s21+$0x0] =	vst.idx.add.f32.msk $0xffff, v20  }
0x128: {  	v63 =	vor.u32 v6, v15;
	v23 =	vmul.f32 v29, v11;
	v24 =	vld [tilespmem:s3+$0x70]  }
0x129: {  	v20 =	vld [tilespmem:s20+$0x70]  }
0x12a: {  	[tilespmem:v22+s21+$0x0] =	vst.idx.add.f32.msk $0xffff, v23;
	v23 =	vor.u32 v8, v26  }
0x12b: {  	v25 =	vld.idx.msk [tilespmem:v9+s29+$0x30 ss:$0x1], $0xffff;
	v29 =	vor.u32 v8, v30;
	v22 =	vmul.f32 v28, v12  }
0x12c: {  	v26 =	vld [tilespmem:s0+$0x70]  }
0x12d: {  	[tilespmem:v63+s21+$0x0] =	vst.idx.add.f32.msk $0xffff, v22;
	v24 =	vmul.f32 v24, v10  }
0x12e: {  	v22 =	vor.u32 v8, v27;
	v20 =	vmul.f32 v20, v13;
	v27 =	vld [tilespmem:s6+$0x60]  }
0x12f: {  	[tilespmem:v23+s21+$0x0] =	vst.idx.add.f32.msk $0xffff, v24  }
0x130: {  	s0 =	simm.s32 $0x80;
	[tilespmem:v29+s21+$0x0] =	vst.idx.add.f32.msk $0xffff, v20;
	v29 =	vor.u32 v7, v15  }
0x131: {  	v20 =	vmul.f32 v26, v11;
	v28 =	vld.idx.msk [tilespmem:v9+s0+$0x0 ss:$0x1], $0xffff  }
0x132: {  	v19 =	vshll.u32 v19, $0x5;
	v21 =	vor.u32 v2, v21;
	v23 =	vld.idx.msk [tilespmem:v9+s0+$0xFFFFFFC0 ss:$0x1], $0xffff  }
0x133: {  	v26 =	vor.u32 v0, v19;
	[tilespmem:v22+s21+$0x0] =	vst.idx.add.f32.msk $0xffff, v20;
	v24 =	vmul.f32 v27, v12  }
0x134: {  	v18 =	vshll.u32 v18, $0x5;
	v22 =	vld.idx.msk [tilespmem:v9+s0+$0xFFFFFFE0 ss:$0x1], $0xffff  }
0x135: {  	v17 =	vshll.u32 v17, $0x5;
	v16 =	vmul.f32 v25, v16;
	[tilespmem:v29+s21+$0x0] =	vst.idx.add.f32.msk $0xffff, v24;
	v24 =	vor.u32 v0, v18  }
0x136: {  	s30 =	simm.s32 $0x400;
	v14 =	vshll.u32 v14, $0x5;
	s29 =	simm.s32 $0x4;
	v20 =	vor.u32 v0, v17;
	v27 =	vmul.f32 v28, v13;
	v25 =	vld [tilespmem:s6+$0x70]  }
.LBB2_6:
0x137: {  	s3 =	sadd.s32 s29, s25;
	s6 =	sand.u32 $0x3C00, s30;
	s29 =	sadd.s32 $0x4, s29;
	[tilespmem:v21+s22+$0x0] =	vst.idx.add.f32.msk $0xffff, v16  }
0x138: {  	v16 =	vmul.f32 v23, v10;
	v15 =	vor.u32 v8, v15;
	s20 =	sadd.s32 $0x4, s3;
	s31 =	sadd.s32 $0x5, s3;
	s7 =	sadd.s32 $0x6, s3;
	[tilespmem:v26+s22+$0x0] =	vst.idx.add.f32.msk $0xffff, v27  }
0x139: {  	s6 =	sadd.s32 s6, s28;
	p1 =	slt.u32 s29, $0x7C;
	v21 =	vmov s20;
	v23 =	vmov s31;
	v26 =	vmov s7;
	s7 =	sadd.s32 $0x7, s3;
	v27 =	vld.idx.msk [tilespmem:v9+s0+$0x10 ss:$0x1], $0xffff  }
0x13a: {  	v21 =	vand.u32 $0xFFFFFFFC, v21;
	v23 =	vand.u32 $0xFFFFFFFD, v23;
	[tilespmem:v24+s22+$0x0] =	vst.idx.add.f32.msk $0xffff, v16;
	v16 =	vmul.f32 v22, v11  }
0x13b: {  	v21 =	vbroadcast v21, $0x0;
	v22 =	vld.idx.msk [tilespmem:v9+s0+$0xFFFFFFD0 ss:$0x1], $0xffff  }
0x13c: {  	s3 =	sadd.s32 $0x80, s30;
	v24 =	vand.u32 $0xFFFFFFFE, v26;
	v23 =	vbroadcast v23, $0x0;
	[tilespmem:v20+s22+$0x0] =	vst.idx.add.f32.msk $0xffff, v16;
	v16 =	vmul.f32 v25, v12  }
0x13d: {  	s3 =	sand.u32 $0x280, s3;
	v20 =	vbroadcast v24, $0x0;
	v24 =	vld.idx.msk [tilespmem:v9+s0+$0xFFFFFFF0 ss:$0x1], $0xffff  }
0x13e: {  	s20 =	sand.u32 $0x200, s30;
	s31 =	sadd.s32 s3, s6;
	[tilespmem:v15+s21+$0x0] =	vst.idx.add.f32.msk $0xffff, v16  }
0x13f: {  	s3 =	sadd.s32 s20, s6;
	v13 =	vmul.f32 v27, v13;
	v16 =	vor.u32 v2, v19;
	v15 =	vld [tilespmem:s31+$0x0]  }
0x140: {  	v25 =	vld [tilespmem:s3+$0x0]  }
0x141: {  	v26 =	vmul.f32 v22, v10;
	v19 =	vld.idx.msk [tilespmem:v21+s4+$0x0], $0xffff  }
0x142: {  	v27 =	vld.idx.msk [tilespmem:v23+s4+$0x0], $0xffff  }
0x143: {  	v24 =	vmul.f32 v24, v11;
	v28 =	vld.idx.msk [tilespmem:v20+s4+$0x0], $0xffff  }
0x144: {  	v29 =	vor.u32 v2, v18;
	[tilespmem:v16+s22+$0x0] =	vst.idx.add.f32.msk $0xffff, v13  }
0x145: {  	s20 =	sadd.s32 $0x100, s30;
	v16 =	vor.u32 v2, v17;
	v10 =	vld.idx.msk [tilespmem:v21+s15+$0x0], $0xffff  }
0x146: {  	v30 =	vmov s7;
	s20 =	sand.u32 $0x300, s20;
	v11 =	vld.idx.msk [tilespmem:v23+s15+$0x0], $0xffff  }
0x147: {  	s20 =	sadd.s32 s20, s6;
	v21 =	vshll.u32 v19, $0x7;
	v18 =	vshll.u32 v19, $0x5;
	v13 =	vld.idx.msk [tilespmem:v20+s15+$0x0], $0xffff  }
0x148: {  	v31 =	vor.u32 v0, v21;
	v22 =	vshll.u32 v27, $0x7;
	v17 =	vshll.u32 v27, $0x5;
	v27 =	vld [tilespmem:s20+$0x0]  }
0x149: {  	v32 =	vor.u32 v0, v22;
	v23 =	vshll.u32 v28, $0x7;
	v19 =	vshll.u32 v28, $0x5;
	[tilespmem:v29+s22+$0x0] =	vst.idx.add.f32.msk $0xffff, v26  }
0x14a: {  	v20 =	vor.u32 v0, v17;
	v26 =	vor.u32 v0, v23;
	[tilespmem:v16+s22+$0x0] =	vst.idx.add.f32.msk $0xffff, v24  }
0x14b: {  	v16 =	vmul.f32 v25, v10;
	v24 =	vld.idx.msk [tilespmem:v30+s4+$0x0], $0xffff  }
0x14c: {  	v15 =	vmul.f32 v15, v11;
	v25 =	vld.idx.msk [tilespmem:v9+s0+$0x20 ss:$0x1], $0xffff  }
0x14d: {  	[tilespmem:v31+s21+$0x0] =	vst.idx.add.f32.msk $0xffff, v16;
	v16 =	vmul.f32 v27, v13  }
0x14e: {  	[tilespmem:v32+s21+$0x0] =	vst.idx.add.f32.msk $0xffff, v15  }
0x14f: {  	[tilespmem:v26+s21+$0x0] =	vst.idx.add.f32.msk $0xffff, v16;
	v16 =	vor.u32 v0, v14  }
0x150: {  	v26 =	vld [tilespmem:s20+$0x10]  }
0x151: {  	v15 =	vshll.u32 v24, $0x7;
	v24 =	vshll.u32 v24, $0x5;
	v27 =	vld [tilespmem:s3+$0x10]  }
0x152: {  	v29 =	vor.u32 v2, v23;
	v25 =	vmul.f32 v25, v12;
	v28 =	vld [tilespmem:s31+$0x10]  }
0x153: {  	s7 =	sadd.s32 $0x180, s30;
	v30 =	vld.idx.msk [tilespmem:v30+s15+$0x0], $0xffff  }
0x154: {  	s7 =	sand.u32 $0x380, s7;
	v31 =	vor.u32 v2, v21;
	[tilespmem:v16+s22+$0x0] =	vst.idx.add.f32.msk $0xffff, v25  }
0x155: {  	s6 =	sadd.s32 s7, s6;
	v16 =	vmul.f32 v26, v13;
	v25 =	vld.idx.msk [tilespmem:v9+s0+$0x30 ss:$0x1], $0xffff  }
0x156: {  	v26 =	vmul.f32 v27, v10;
	v27 =	vor.u32 v2, v22;
	v32 =	vld [tilespmem:s6+$0x0]  }
0x157: {  	v28 =	vmul.f32 v28, v11;
	[tilespmem:v29+s21+$0x0] =	vst.idx.add.f32.msk $0xffff, v16  }
0x158: {  	v33 =	vor.u32 v0, v15;
	v29 =	vld [tilespmem:s20+$0x20]  }
0x159: {  	[tilespmem:v31+s21+$0x0] =	vst.idx.add.f32.msk $0xffff, v26  }
0x15a: {  	v31 =	vor.u32 v3, v23;
	v26 =	vld [tilespmem:s3+$0x20]  }
0x15b: {  	v16 =	vmul.f32 v25, v12;
	v12 =	vmov v30;
	[tilespmem:v27+s21+$0x0] =	vst.idx.add.f32.msk $0xffff, v28;
	v27 =	vmul.f32 v32, v30  }
0x15c: {  	v25 =	vor.u32 v3, v21;
	v28 =	vld [tilespmem:s31+$0x20]  }
0x15d: {  	v29 =	vmul.f32 v29, v13;
	[tilespmem:v33+s21+$0x0] =	vst.idx.add.f32.msk $0xffff, v27  }
0x15e: {  	v27 =	vor.u32 v3, v22;
	v30 =	vld [tilespmem:s6+$0x10]  }
0x15f: {  	v26 =	vmul.f32 v26, v10;
	[tilespmem:v31+s21+$0x0] =	vst.idx.add.f32.msk $0xffff, v29  }
0x160: {  	v31 =	vor.u32 v2, v15;
	v29 =	vld [tilespmem:s20+$0x30]  }
0x161: {  	[tilespmem:v25+s21+$0x0] =	vst.idx.add.f32.msk $0xffff, v26;
	v25 =	vmul.f32 v28, v11  }
0x162: {  	v28 =	vor.u32 v4, v23;
	v26 =	vld [tilespmem:s3+$0x30]  }
0x163: {  	[tilespmem:v27+s21+$0x0] =	vst.idx.add.f32.msk $0xffff, v25;
	v25 =	vmul.f32 v30, v12  }
0x164: {  	v27 =	vor.u32 v4, v21;
	v30 =	vld [tilespmem:s31+$0x30]  }
0x165: {  	v29 =	vmul.f32 v29, v13;
	[tilespmem:v31+s21+$0x0] =	vst.idx.add.f32.msk $0xffff, v25  }
0x166: {  	v25 =	vor.u32 v4, v22;
	v31 =	vld [tilespmem:s6+$0x20]  }
0x167: {  	v26 =	vmul.f32 v26, v10;
	[tilespmem:v28+s21+$0x0] =	vst.idx.add.f32.msk $0xffff, v29  }
0x168: {  	v29 =	vor.u32 v3, v15;
	v28 =	vld [tilespmem:s20+$0x40]  }
0x169: {  	[tilespmem:v27+s21+$0x0] =	vst.idx.add.f32.msk $0xffff, v26;
	v26 =	vmul.f32 v30, v11  }
0x16a: {  	v30 =	vor.u32 v5, v23;
	v27 =	vld [tilespmem:s3+$0x40]  }
0x16b: {  	[tilespmem:v25+s21+$0x0] =	vst.idx.add.f32.msk $0xffff, v26;
	v25 =	vmul.f32 v31, v12  }
0x16c: {  	v26 =	vor.u32 v5, v21;
	v31 =	vld [tilespmem:s31+$0x40]  }
0x16d: {  	v28 =	vmul.f32 v28, v13;
	[tilespmem:v29+s21+$0x0] =	vst.idx.add.f32.msk $0xffff, v25  }
0x16e: {  	v25 =	vor.u32 v5, v22;
	v29 =	vld [tilespmem:s6+$0x30]  }
0x16f: {  	v27 =	vmul.f32 v27, v10;
	[tilespmem:v30+s21+$0x0] =	vst.idx.add.f32.msk $0xffff, v28  }
0x170: {  	v30 =	vor.u32 v4, v15;
	v28 =	vld [tilespmem:s20+$0x50]  }
0x171: {  	[tilespmem:v26+s21+$0x0] =	vst.idx.add.f32.msk $0xffff, v27;
	v26 =	vmul.f32 v31, v11  }
0x172: {  	v31 =	vor.u32 v6, v23;
	v27 =	vld [tilespmem:s3+$0x50]  }
0x173: {  	[tilespmem:v25+s21+$0x0] =	vst.idx.add.f32.msk $0xffff, v26;
	v25 =	vmul.f32 v29, v12  }
0x174: {  	v26 =	vor.u32 v6, v21;
	v29 =	vld [tilespmem:s31+$0x50]  }
0x175: {  	v28 =	vmul.f32 v28, v13;
	[tilespmem:v30+s21+$0x0] =	vst.idx.add.f32.msk $0xffff, v25  }
0x176: {  	v25 =	vor.u32 v6, v22;
	v30 =	vld [tilespmem:s6+$0x40]  }
0x177: {  	v27 =	vmul.f32 v27, v10;
	[tilespmem:v31+s21+$0x0] =	vst.idx.add.f32.msk $0xffff, v28  }
0x178: {  	v31 =	vor.u32 v5, v15;
	v28 =	vld [tilespmem:s20+$0x60]  }
0x179: {  	[tilespmem:v26+s21+$0x0] =	vst.idx.add.f32.msk $0xffff, v27;
	v26 =	vmul.f32 v29, v11  }
0x17a: {  	v29 =	vor.u32 v7, v23;
	v27 =	vld [tilespmem:s3+$0x60]  }
0x17b: {  	[tilespmem:v25+s21+$0x0] =	vst.idx.add.f32.msk $0xffff, v26;
	v25 =	vmul.f32 v30, v12  }
0x17c: {  	v26 =	vor.u32 v7, v21;
	v30 =	vld [tilespmem:s31+$0x60]  }
0x17d: {  	v28 =	vmul.f32 v28, v13;
	[tilespmem:v31+s21+$0x0] =	vst.idx.add.f32.msk $0xffff, v25  }
0x17e: {  	v25 =	vor.u32 v7, v22;
	v31 =	vld [tilespmem:s6+$0x50]  }
0x17f: {  	v27 =	vmul.f32 v27, v10;
	[tilespmem:v29+s21+$0x0] =	vst.idx.add.f32.msk $0xffff, v28  }
0x180: {  	v29 =	vor.u32 v6, v15;
	v28 =	vld [tilespmem:s20+$0x70]  }
0x181: {  	[tilespmem:v26+s21+$0x0] =	vst.idx.add.f32.msk $0xffff, v27;
	v26 =	vmul.f32 v30, v11  }
0x182: {  	v23 =	vor.u32 v8, v23;
	v27 =	vld [tilespmem:s3+$0x70]  }
0x183: {  	[tilespmem:v25+s21+$0x0] =	vst.idx.add.f32.msk $0xffff, v26;
	v25 =	vmul.f32 v31, v12  }
0x184: {  	v21 =	vor.u32 v8, v21;
	v26 =	vld [tilespmem:s31+$0x70]  }
0x185: {  	v28 =	vmul.f32 v28, v13;
	[tilespmem:v29+s21+$0x0] =	vst.idx.add.f32.msk $0xffff, v25  }
0x186: {  	v22 =	vor.u32 v8, v22;
	v25 =	vld [tilespmem:s6+$0x60]  }
0x187: {  	s0 =	sshra.s32 s30, $0x2;
	v27 =	vmul.f32 v27, v10;
	[tilespmem:v23+s21+$0x0] =	vst.idx.add.f32.msk $0xffff, v28  }
0x188: {  	v29 =	vor.u32 v7, v15;
	v28 =	vld.idx.msk [tilespmem:v9+s0+$0x0 ss:$0x1], $0xffff  }
0x189: {  	[tilespmem:v21+s21+$0x0] =	vst.idx.add.f32.msk $0xffff, v27;
	v26 =	vmul.f32 v26, v11  }
.Ltmp1:
0x18a: {  	v21 =	vor.u32 v2, v14;
	v14 =	vmov v24;
	v23 =	vld.idx.msk [tilespmem:v9+s0+$0xFFFFFFC0 ss:$0x1], $0xffff;
	(pc) =	sbr.rel @p1 .LBB2_6-.Ltmp1, $4  }
0x18b: {  	[tilespmem:v22+s21+$0x0] =	vst.idx.add.f32.msk $0xffff, v26;
	v26 =	vor.u32 v0, v19;
	v25 =	vmul.f32 v25, v12  }
0x18c: {  	v22 =	vld.idx.msk [tilespmem:v9+s0+$0xFFFFFFE0 ss:$0x1], $0xffff  }
0x18d: {  	v24 =	vor.u32 v0, v18;
	[tilespmem:v29+s21+$0x0] =	vst.idx.add.f32.msk $0xffff, v25  }
0x18e: {  	s30 =	sadd.s32 $0x200, s30;
	v27 =	vmul.f32 v28, v13;
	v25 =	vld [tilespmem:s6+$0x70]  }
0x18f: {  	_ = 	snop  }
0x190: {  	v15 =	vor.u32 v8, v15;
	_ =	sdelay $0x2  }
0x191: {  	v25 =	vmul.f32 v25, v12;
	_ =	sdelay $0x1  }
0x192: {  	[tilespmem:v15+s21+$0x0] =	vst.idx.add.f32.msk $0xffff, v25  }
0x193: {  	v15 =	vld.idx.msk [tilespmem:v9+s0+$0x20 ss:$0x1], $0xffff  }
0x194: {  	v23 =	vmul.f32 v23, v10;
	[tilespmem:v26+s22+$0x0] =	vst.idx.add.f32.msk $0xffff, v27  }
0x195: {  	v61 =	vor.u32 v0, v14;
	v60 =	vld.idx.msk [tilespmem:v9+s0+$0x10 ss:$0x1], $0xffff  }
0x196: {  	[tilespmem:v24+s22+$0x0] =	vst.idx.add.f32.msk $0xffff, v23;
	v22 =	vmul.f32 v22, v11  }
0x197: {  	v23 =	vld.idx.msk [tilespmem:v9+s0+$0xFFFFFFD0 ss:$0x1], $0xffff  }
0x198: {  	[tilespmem:v20+s22+$0x0] =	vst.idx.add.f32.msk $0xffff, v22;
	v15 =	vmul.f32 v15, v12  }
0x199: {  	v20 =	vld.idx.msk [tilespmem:v9+s0+$0xFFFFFFF0 ss:$0x1], $0xffff  }
0x19a: {  	v19 =	vor.u32 v2, v19;
	[tilespmem:v61+s22+$0x0] =	vst.idx.add.f32.msk $0xffff, v15  }
0x19b: {  	v62 =	vor.u32 v2, v18;
	v9 =	vld.idx.msk [tilespmem:v9+s0+$0x30 ss:$0x1], $0xffff  }
0x19c: {  	v17 =	vor.u32 v2, v17  }
0x19d: {  	v63 =	vor.u32 v2, v14;
	v13 =	vmul.f32 v60, v13  }
0x19e: {  	[tilespmem:v21+s22+$0x0] =	vst.idx.add.f32.msk $0xffff, v16;
	v10 =	vmul.f32 v23, v10  }
0x19f: {  	[tilespmem:v19+s22+$0x0] =	vst.idx.add.f32.msk $0xffff, v13;
	v11 =	vmul.f32 v20, v11  }
0x1a0: {  	[tilespmem:v62+s22+$0x0] =	vst.idx.add.f32.msk $0xffff, v10;
	v9 =	vmul.f32 v9, v12  }
0x1a1: {  	[tilespmem:v17+s22+$0x0] =	vst.idx.add.f32.msk $0xffff, v11  }
0x1a2: {  	[tilespmem:v63+s22+$0x0] =	vst.idx.add.f32.msk $0xffff, v9  }
0x1a3: {  	p1 =	seq.s32 s26, $0x10  }
.Ltmp2:
0x1a4: {  	_ = 	snop;
	(pc) =	sbr.rel @!p1 .LBB2_5-.Ltmp2, $2  }
0x1a5: {  	_ =	sdelay $0x2  }
0x1a6: {  	s25 =	sadd.s32 $0x80, s25;
	p0 =	por !p0, !p0  }
0x1a7: {  	[hbm4b:s11+s16] =	stream.strided.scatter [tilespmem:s21], [sflag:$0x5], $0x8000, s17, s16, $0x38;
	[tilespmem:$0x15000] =	vst v63  }
0x1a8: {  	s23 =	sadd.s32 $0x1, s23;
	_ =	swait.ge [sflag:s14], $0x8000  }
0x1a9: {  	p0 =	sne.s32 s23, s13;
	[sflag:s14] =	ssyncset.done $0x0  }
.Ltmp3:
0x1aa: {  	[sflag:s14] =	ssyncadd.s32 $0xFFFF8000;
	(pc) =	sbr.rel @p0 .LBB2_1-.Ltmp3, $4  }
0x1ab: {  	[hbm4b:s12+s18] =	stream.strided.scatter [tilespmem:s22], [sflag:$0x5], $0x2000, s19, s18, $0x38;
	[tilespmem:$0x15000] =	vst v63  }
0x1ac: {  	_ =	swait.ge [sflag:s14], $0x2000  }
0x1ad: {  	[sflag:s14] =	ssyncset.done $0x0  }
0x1ae: {  	[sflag:s14] =	ssyncadd.s32 $0xFFFFE000  }
0x1af: {  	_ =	sfence.sel $0x180000  }
0x1b0: {  	[bflag:$0x0] =	sbarrier.arrive $0xFFFF  }
0x1b1: {  	_ =	strace $0x90000047  }
0x1b2: {  	s0 =	stileid.u32;
	[bflag:$0x2] =	sbarrier.arrive $0xFFFF  }
0x1b3: {  	p0 =	sne.s32 s0, $0x0;
	s0 =	rddreg [dreg:$0x5]  }
0x1b4: {  	s0 =	sadd.s32 @!p0 $0x100000, s0  }
0x1b5: {  	[sflag:s0] =	ssyncadd.tile.s32 @!p0 $0x1;
	_ =	shalt  }
.Lfunc_end2:
_tile_overlayer_lowered:
.L_overlay_start_2:
0x1b6: {  	(tag) =	ssettag $0x2  }
0x1b7: {  	s0 =	rddreg [dreg:$0x0];
	s2 =	stileid.u32  }
0x1b8: {  	s1 =	rddreg [dreg:$0x1];
	p0 =	sne.s32 s2, $0x0  }
0x1b9: {  	s3 =	rddreg [dreg:$0x2];
	[bflag:$0x3] =	sbarrier.arrive $0xFFFF;
	s2 =	simm.s32 @!p0 $0x1C05  }
0x1ba: {  	[timem:s3], [sflag:s2] =	dma.local @!p0 [hbm:s0], s1  }
0x1bb: {  	s0 =	simm.s32 @!p0 $0x5  }
0x1bc: {  	_ =	swait.ge @!p0 [sflag:s0], s1  }
0x1bd: {  	s1 =	ssub.s32 @!p0 $0x0, s1;
	[sflag:s0] =	ssyncset.done @!p0 $0x0  }
0x1be: {  	[sflag:s0] =	ssyncadd.s32 @!p0 s1  }
0x1bf: {  	[bflag:$0x3] =	sbarrier.arrive $0xFFFF  }
0x1c0: {  	_ =	shalt  }

</sc_bundles>
